<compile_context>
chip_gen: v7x
topology: tpu7x:2x2x1
jax: 0.10.2.dev20260603
libtpu: 0.0.44.dev20260713+nightly
codegen_flags: <defaults>
</compile_context>

<pallas_src>
import functools

import jax
import jax.numpy as jnp
from jax import lax
from jax.experimental import pallas as pl
from jax.experimental.pallas import tpu as pltpu
from jax.experimental.pallas import tpu_sc as plsc

D = 256
KMAX = 64
L = 512
SH = 1016
NE = 2 * KMAX + 1

_mesh = plsc.VectorSubcoreMesh(core_axis_name="c", subcore_axis_name="s")


@functools.partial(
    pl.kernel,
    mesh=_mesh,
    out_type=jax.ShapeDtypeStruct((L, L, D), jnp.float32),
    scratch_types=[
        pltpu.VMEM((NE, D), jnp.float32),
        pltpu.VMEM((64, D), jnp.float32),
        pltpu.VMEM_SHARED((4 * SH, D), jnp.float32),
        pltpu.SemaphoreType.DMA,
    ],
)
def _rel_pos_sc(emb, out, emb_vm, stage_vm, tabs, wsem):
    s = lax.axis_index("s")
    c = lax.axis_index("c")

    chunk = jnp.minimum(s * 64, SH - 64)

    pltpu.sync_copy(emb, emb_vm)
    for p in range(4):
        shift = (c * 4 + p) - (L - 1 - KMAX)

        def copy_row(t, _):
            row = jnp.clip(chunk + t + shift, 0, 2 * KMAX)
            for l in range(D // 16):
                stage_vm[t, pl.ds(l * 16, 16)] = emb_vm[row, pl.ds(l * 16, 16)]
            return _

        lax.fori_loop(0, 64, copy_row, None, unroll=False)
        pltpu.sync_copy(stage_vm, tabs.at[pl.ds(p * SH + chunk, 64)])
    plsc.subcore_barrier()

    copies = []
    for p in range(4):
        r = c * 4 + p
        m = s
        i = (L - 1) - r - 8 * m
        copies.append(pltpu.async_copy(
            tabs.at[pl.ds(p * SH + 8 * m, L)], out.at[i], wsem))
    for cp in copies:
        cp.wait()


_RPB = 8


def _rel_pos_tc_body(emb_ref, out_ref, b_ref):
    g = pl.program_id(0)

    @pl.when(g == 0)
    def _():
        for r in range(8):
            w0 = L - 1 - KMAX - r
            b_ref[r, 0:w0] = jnp.broadcast_to(emb_ref[0:1], (w0, D))
            b_ref[r, w0:w0 + NE] = emb_ref[...]
            b_ref[r, w0 + NE:] = jnp.broadcast_to(
                emb_ref[NE - 1:NE], (SH - (w0 + NE), D))

    for rr in range(_RPB):
        r = (7 - rr) % 8
        start = pl.multiple_of((L - 1) - rr - r - g * _RPB, 8)
        out_ref[rr] = b_ref[r, pl.ds(start, L)]


_rel_pos_tc = pl.pallas_call(
    _rel_pos_tc_body,
    grid=(L // _RPB,),
    in_specs=[pl.BlockSpec((NE, D), lambda g: (0, 0))],
    out_specs=pl.BlockSpec((_RPB, L, D), lambda g: (g, 0, 0)),
    out_shape=jax.ShapeDtypeStruct((L, L, D), jnp.float32),
    scratch_shapes=[pltpu.VMEM((8, SH, D), jnp.float32)],
)


def _rel_pos_tc_tail_body(emb_ref, vin_ref, out_ref, b_ref):
    del vin_ref
    _rel_pos_tc_body(emb_ref, out_ref, b_ref)


_rel_pos_tc_tail = pl.pallas_call(
    _rel_pos_tc_tail_body,
    grid=(384 // _RPB,),
    in_specs=[
        pl.BlockSpec((NE, D), lambda g: (0, 0)),
        pl.BlockSpec(memory_space=pl.ANY),
    ],
    out_specs=pl.BlockSpec((_RPB, L, D), lambda g: (g, 0, 0)),
    out_shape=jax.ShapeDtypeStruct((L, L, D), jnp.float32),
    scratch_shapes=[pltpu.VMEM((8, SH, D), jnp.float32)],
    input_output_aliases={1: 0},
)


def kernel(emb_k, emb_v, length_q):
    del length_q
    v_part = _rel_pos_sc(emb_v)
    out_k = _rel_pos_tc(emb_k)
    out_v = _rel_pos_tc_tail(emb_v, v_part)
    return out_k, out_v

# --- scband reference (transcript-rebuilt; emitter-appended) ---
"""Pipeline reference for scband-standard-relative-position-38972533244455 (READ-ONLY COPY).

The authoritative reference and input builder live on the scoring server;
editing this copy changes nothing except your own understanding.
"""

import jax, jax.numpy as jnp
import numpy as np

D_MODEL = 256
K = 64
LENGTH_Q = 512


def _xavier_uniform(key, shape):
    fan_in, fan_out = shape[0], shape[1]
    limit = float(np.sqrt(6.0 / (fan_in + fan_out)))
    return jax.random.uniform(key, shape, dtype=jnp.float32, minval=-limit, maxval=limit)


def setup_inputs(seed: int = 0) -> dict:
    key = jax.random.key(seed)
    k1, k2 = jax.random.split(key, 2)
    emb_k = _xavier_uniform(k1, (K * 2 + 1, D_MODEL))
    emb_v = _xavier_uniform(k2, (K * 2 + 1, D_MODEL))
    return {"emb_k": emb_k, "emb_v": emb_v, "length_q": 512}


def reference(emb_k, emb_v, length_q):
    zero = length_q - LENGTH_Q
    range_vec_q = jnp.arange(LENGTH_Q) + zero
    range_vec_k = jnp.arange(LENGTH_Q) + zero
    distance_mat = range_vec_k[None, :] - range_vec_q[:, None]
    final_mat = jnp.clip(distance_mat, -K, K) + K  # int indices in [0, 2K]
    embeddings_k = jnp.take(emb_k, final_mat, axis=0)
    embeddings_v = jnp.take(emb_v, final_mat, axis=0)
    return (embeddings_k, embeddings_v)

if __name__ == "__main__":
    import jax
    _d = setup_inputs()
    print(jax.jit(kernel)(*tuple(_d.values())))

</pallas_src>

<mosaic_0001>
#map = affine_map<(d0, d1) -> (0, 0)>
#map1 = affine_map<(d0, d1) -> (0, 0, 0)>
module attributes {stable_mosaic.version = 14 : i64} {
  func.func @_rel_pos_sc(%arg0: i32, %arg1: i32, %arg2: memref<129x256xf32, #tpu.memory_space<hbm>>, %arg3: memref<512x512x256xf32, #tpu.memory_space<hbm>>, %arg4: memref<129x256xf32, #tpu.memory_space<vmem>>, %arg5: memref<64x256xf32, #tpu.memory_space<vmem>>, %arg6: memref<4064x256xf32, #tpu.memory_space<vmem_shared>>, %arg7: memref<!tpu.dma_semaphore, #tpu.memory_space<semaphore_mem>>) attributes {dimension_semantics = [#tpu.dimension_semantics<core_parallel>, #tpu.dimension_semantics<subcore_parallel>], iteration_bounds = array<i64: 2, 16>, scalar_prefetch = 0 : i64, scratch_operands = 4 : i64, tpu.core_type = #tpu.core_type<sc_vector_subcore>, window_params = [{transform_indices = #map}, {transform_indices = #map1}]} {
    %mul3A = arith.constant 64 : i32
    %mul3A_0 = arith.muli %arg1, %mul3A : i32
    %min3A = arith.constant 952 : i32
    %min3A_1 = arith.minsi %mul3A_0, %min3A : i32
    "tpu.region"() ({
      %run_scoped3A = tpu.sem_alloc : memref<!tpu.dma_semaphore, #tpu.memory_space<semaphore_mem>>
      tpu.enqueue_dma source(%arg2 : memref<129x256xf32, #tpu.memory_space<hbm>>) target(%arg4 : memref<129x256xf32, #tpu.memory_space<vmem>>) target_semaphore(%run_scoped3A : memref<!tpu.dma_semaphore, #tpu.memory_space<semaphore_mem>>)
      tpu.wait_dma2 semaphore(%run_scoped3A : memref<!tpu.dma_semaphore, #tpu.memory_space<semaphore_mem>>) src(%arg2 : memref<129x256xf32, #tpu.memory_space<hbm>>) dst(%arg4 : memref<129x256xf32, #tpu.memory_space<vmem>>)
      tpu.yield
    }) : () -> ()
    %mul3A_2 = arith.constant 4 : i32
    %mul3A_3 = arith.muli %arg0, %mul3A_2 : i32
    %add3A = arith.constant 0 : i32
    %add3A_4 = arith.addi %mul3A_3, %add3A : i32
    %sub3A = arith.constant 447 : i32
    %sub3A_5 = arith.subi %add3A_4, %sub3A : i32
    %scan3A = arith.constant 0 : i32
    %scan3A_6 = arith.constant 64 : i32
    %scan3A_7 = arith.addi %scan3A, %scan3A_6 : i32
    %scan3A_8 = arith.constant 1 : i32
    scf.for %scan3A_149 = %scan3A to %scan3A_7 step %scan3A_8  : i32 {
      %add3A_150 = arith.addi %min3A_1, %scan3A_149 : i32
      %add3A_151 = arith.addi %add3A_150, %sub3A_5 : i32
      %jit3A = arith.constant 0 : i32
      %jit3A_152 = arith.constant 128 : i32
      %max3A = arith.maxsi %jit3A, %add3A_151 : i32
      %min3A_153 = arith.minsi %jit3A_152, %max3A : i32
      %get3A = arith.index_cast %min3A_153 : i32 to index
      %get3A_154 = arith.constant 0 : index
      %get3A_155 = tpu.vector_load %arg4[%get3A, %get3A_154] {strides = array<i32>} : memref<129x256xf32, #tpu.memory_space<vmem>>, vector<1x16xf32>,
      %get3A_156 = vector.shape_cast %get3A_155 : vector<1x16xf32> to vector<16xf32>
      %swap3A = arith.index_cast %scan3A_149 : i32 to index
      %swap3A_157 = arith.constant 0 : index
      %swap3A_158 = tpu.vector_load %arg5[%swap3A, %swap3A_157] {strides = array<i32>} : memref<64x256xf32, #tpu.memory_space<vmem>>, vector<1x16xf32>,
      %swap3A_159 = vector.shape_cast %swap3A_158 : vector<1x16xf32> to vector<16xf32>
      %swap3A_160 = vector.shape_cast %get3A_156 : vector<16xf32> to vector<1x16xf32>
      tpu.vector_store %arg5[%swap3A, %swap3A_157], %swap3A_160 {strides = array<i32>} : memref<64x256xf32, #tpu.memory_space<vmem>>, vector<1x16xf32>,
      %get3A_161 = arith.index_cast %min3A_153 : i32 to index
      %get3A_162 = arith.constant 16 : index
      %get3A_163 = tpu.vector_load %arg4[%get3A_161, %get3A_162] {strides = array<i32>} : memref<129x256xf32, #tpu.memory_space<vmem>>, vector<1x16xf32>,
      %get3A_164 = vector.shape_cast %get3A_163 : vector<1x16xf32> to vector<16xf32>
      %swap3A_165 = arith.index_cast %scan3A_149 : i32 to index
      %swap3A_166 = arith.constant 16 : index
      %swap3A_167 = tpu.vector_load %arg5[%swap3A_165, %swap3A_166] {strides = array<i32>} : memref<64x256xf32, #tpu.memory_space<vmem>>, vector<1x16xf32>,
      %swap3A_168 = vector.shape_cast %swap3A_167 : vector<1x16xf32> to vector<16xf32>
      %swap3A_169 = vector.shape_cast %get3A_164 : vector<16xf32> to vector<1x16xf32>
      tpu.vector_store %arg5[%swap3A_165, %swap3A_166], %swap3A_169 {strides = array<i32>} : memref<64x256xf32, #tpu.memory_space<vmem>>, vector<1x16xf32>,
      %get3A_170 = arith.index_cast %min3A_153 : i32 to index
      %get3A_171 = arith.constant 32 : index
      %get3A_172 = tpu.vector_load %arg4[%get3A_170, %get3A_171] {strides = array<i32>} : memref<129x256xf32, #tpu.memory_space<vmem>>, vector<1x16xf32>,
      %get3A_173 = vector.shape_cast %get3A_172 : vector<1x16xf32> to vector<16xf32>
      %swap3A_174 = arith.index_cast %scan3A_149 : i32 to index
      %swap3A_175 = arith.constant 32 : index
      %swap3A_176 = tpu.vector_load %arg5[%swap3A_174, %swap3A_175] {strides = array<i32>} : memref<64x256xf32, #tpu.memory_space<vmem>>, vector<1x16xf32>,
      %swap3A_177 = vector.shape_cast %swap3A_176 : vector<1x16xf32> to vector<16xf32>
      %swap3A_178 = vector.shape_cast %get3A_173 : vector<16xf32> to vector<1x16xf32>
      tpu.vector_store %arg5[%swap3A_174, %swap3A_175], %swap3A_178 {strides = array<i32>} : memref<64x256xf32, #tpu.memory_space<vmem>>, vector<1x16xf32>,
      %get3A_179 = arith.index_cast %min3A_153 : i32 to index
      %get3A_180 = arith.constant 48 : index
      %get3A_181 = tpu.vector_load %arg4[%get3A_179, %get3A_180] {strides = array<i32>} : memref<129x256xf32, #tpu.memory_space<vmem>>, vector<1x16xf32>,
      %get3A_182 = vector.shape_cast %get3A_181 : vector<1x16xf32> to vector<16xf32>
      %swap3A_183 = arith.index_cast %scan3A_149 : i32 to index
      %swap3A_184 = arith.constant 48 : index
      %swap3A_185 = tpu.vector_load %arg5[%swap3A_183, %swap3A_184] {strides = array<i32>} : memref<64x256xf32, #tpu.memory_space<vmem>>, vector<1x16xf32>,
      %swap3A_186 = vector.shape_cast %swap3A_185 : vector<1x16xf32> to vector<16xf32>
      %swap3A_187 = vector.shape_cast %get3A_182 : vector<16xf32> to vector<1x16xf32>
      tpu.vector_store %arg5[%swap3A_183, %swap3A_184], %swap3A_187 {strides = array<i32>} : memref<64x256xf32, #tpu.memory_space<vmem>>, vector<1x16xf32>,
      %get3A_188 = arith.index_cast %min3A_153 : i32 to index
      %get3A_189 = arith.constant 64 : index
      %get3A_190 = tpu.vector_load %arg4[%get3A_188, %get3A_189] {strides = array<i32>} : memref<129x256xf32, #tpu.memory_space<vmem>>, vector<1x16xf32>,
      %get3A_191 = vector.shape_cast %get3A_190 : vector<1x16xf32> to vector<16xf32>
      %swap3A_192 = arith.index_cast %scan3A_149 : i32 to index
      %swap3A_193 = arith.constant 64 : index
      %swap3A_194 = tpu.vector_load %arg5[%swap3A_192, %swap3A_193] {strides = array<i32>} : memref<64x256xf32, #tpu.memory_space<vmem>>, vector<1x16xf32>,
      %swap3A_195 = vector.shape_cast %swap3A_194 : vector<1x16xf32> to vector<16xf32>
      %swap3A_196 = vector.shape_cast %get3A_191 : vector<16xf32> to vector<1x16xf32>
      tpu.vector_store %arg5[%swap3A_192, %swap3A_193], %swap3A_196 {strides = array<i32>} : memref<64x256xf32, #tpu.memory_space<vmem>>, vector<1x16xf32>,
      %get3A_197 = arith.index_cast %min3A_153 : i32 to index
      %get3A_198 = arith.constant 80 : index
      %get3A_199 = tpu.vector_load %arg4[%get3A_197, %get3A_198] {strides = array<i32>} : memref<129x256xf32, #tpu.memory_space<vmem>>, vector<1x16xf32>,
      %get3A_200 = vector.shape_cast %get3A_199 : vector<1x16xf32> to vector<16xf32>
      %swap3A_201 = arith.index_cast %scan3A_149 : i32 to index
      %swap3A_202 = arith.constant 80 : index
      %swap3A_203 = tpu.vector_load %arg5[%swap3A_201, %swap3A_202] {strides = array<i32>} : memref<64x256xf32, #tpu.memory_space<vmem>>, vector<1x16xf32>,
      %swap3A_204 = vector.shape_cast %swap3A_203 : vector<1x16xf32> to vector<16xf32>
      %swap3A_205 = vector.shape_cast %get3A_200 : vector<16xf32> to vector<1x16xf32>
      tpu.vector_store %arg5[%swap3A_201, %swap3A_202], %swap3A_205 {strides = array<i32>} : memref<64x256xf32, #tpu.memory_space<vmem>>, vector<1x16xf32>,
      %get3A_206 = arith.index_cast %min3A_153 : i32 to index
      %get3A_207 = arith.constant 96 : index
      %get3A_208 = tpu.vector_load %arg4[%get3A_206, %get3A_207] {strides = array<i32>} : memref<129x256xf32, #tpu.memory_space<vmem>>, vector<1x16xf32>,
      %get3A_209 = vector.shape_cast %get3A_208 : vector<1x16xf32> to vector<16xf32>
      %swap3A_210 = arith.index_cast %scan3A_149 : i32 to index
      %swap3A_211 = arith.constant 96 : index
      %swap3A_212 = tpu.vector_load %arg5[%swap3A_210, %swap3A_211] {strides = array<i32>} : memref<64x256xf32, #tpu.memory_space<vmem>>, vector<1x16xf32>,
      %swap3A_213 = vector.shape_cast %swap3A_212 : vector<1x16xf32> to vector<16xf32>
      %swap3A_214 = vector.shape_cast %get3A_209 : vector<16xf32> to vector<1x16xf32>
      tpu.vector_store %arg5[%swap3A_210, %swap3A_211], %swap3A_214 {strides = array<i32>} : memref<64x256xf32, #tpu.memory_space<vmem>>, vector<1x16xf32>,
      %get3A_215 = arith.index_cast %min3A_153 : i32 to index
      %get3A_216 = arith.constant 112 : index
      %get3A_217 = tpu.vector_load %arg4[%get3A_215, %get3A_216] {strides = array<i32>} : memref<129x256xf32, #tpu.memory_space<vmem>>, vector<1x16xf32>,
      %get3A_218 = vector.shape_cast %get3A_217 : vector<1x16xf32> to vector<16xf32>
      %swap3A_219 = arith.index_cast %scan3A_149 : i32 to index
      %swap3A_220 = arith.constant 112 : index
      %swap3A_221 = tpu.vector_load %arg5[%swap3A_219, %swap3A_220] {strides = array<i32>} : memref<64x256xf32, #tpu.memory_space<vmem>>, vector<1x16xf32>,
      %swap3A_222 = vector.shape_cast %swap3A_221 : vector<1x16xf32> to vector<16xf32>
      %swap3A_223 = vector.shape_cast %get3A_218 : vector<16xf32> to vector<1x16xf32>
      tpu.vector_store %arg5[%swap3A_219, %swap3A_220], %swap3A_223 {strides = array<i32>} : memref<64x256xf32, #tpu.memory_space<vmem>>, vector<1x16xf32>,
      %get3A_224 = arith.index_cast %min3A_153 : i32 to index
      %get3A_225 = arith.constant 128 : index
      %get3A_226 = tpu.vector_load %arg4[%get3A_224, %get3A_225] {strides = array<i32>} : memref<129x256xf32, #tpu.memory_space<vmem>>, vector<1x16xf32>,
      %get3A_227 = vector.shape_cast %get3A_226 : vector<1x16xf32> to vector<16xf32>
      %swap3A_228 = arith.index_cast %scan3A_149 : i32 to index
      %swap3A_229 = arith.constant 128 : index
      %swap3A_230 = tpu.vector_load %arg5[%swap3A_228, %swap3A_229] {strides = array<i32>} : memref<64x256xf32, #tpu.memory_space<vmem>>, vector<1x16xf32>,
      %swap3A_231 = vector.shape_cast %swap3A_230 : vector<1x16xf32> to vector<16xf32>
      %swap3A_232 = vector.shape_cast %get3A_227 : vector<16xf32> to vector<1x16xf32>
      tpu.vector_store %arg5[%swap3A_228, %swap3A_229], %swap3A_232 {strides = array<i32>} : memref<64x256xf32, #tpu.memory_space<vmem>>, vector<1x16xf32>,
      %get3A_233 = arith.index_cast %min3A_153 : i32 to index
      %get3A_234 = arith.constant 144 : index
      %get3A_235 = tpu.vector_load %arg4[%get3A_233, %get3A_234] {strides = array<i32>} : memref<129x256xf32, #tpu.memory_space<vmem>>, vector<1x16xf32>,
      %get3A_236 = vector.shape_cast %get3A_235 : vector<1x16xf32> to vector<16xf32>
      %swap3A_237 = arith.index_cast %scan3A_149 : i32 to index
      %swap3A_238 = arith.constant 144 : index
      %swap3A_239 = tpu.vector_load %arg5[%swap3A_237, %swap3A_238] {strides = array<i32>} : memref<64x256xf32, #tpu.memory_space<vmem>>, vector<1x16xf32>,
      %swap3A_240 = vector.shape_cast %swap3A_239 : vector<1x16xf32> to vector<16xf32>
      %swap3A_241 = vector.shape_cast %get3A_236 : vector<16xf32> to vector<1x16xf32>
      tpu.vector_store %arg5[%swap3A_237, %swap3A_238], %swap3A_241 {strides = array<i32>} : memref<64x256xf32, #tpu.memory_space<vmem>>, vector<1x16xf32>,
      %get3A_242 = arith.index_cast %min3A_153 : i32 to index
      %get3A_243 = arith.constant 160 : index
      %get3A_244 = tpu.vector_load %arg4[%get3A_242, %get3A_243] {strides = array<i32>} : memref<129x256xf32, #tpu.memory_space<vmem>>, vector<1x16xf32>,
      %get3A_245 = vector.shape_cast %get3A_244 : vector<1x16xf32> to vector<16xf32>
      %swap3A_246 = arith.index_cast %scan3A_149 : i32 to index
      %swap3A_247 = arith.constant 160 : index
      %swap3A_248 = tpu.vector_load %arg5[%swap3A_246, %swap3A_247] {strides = array<i32>} : memref<64x256xf32, #tpu.memory_space<vmem>>, vector<1x16xf32>,
      %swap3A_249 = vector.shape_cast %swap3A_248 : vector<1x16xf32> to vector<16xf32>
      %swap3A_250 = vector.shape_cast %get3A_245 : vector<16xf32> to vector<1x16xf32>
      tpu.vector_store %arg5[%swap3A_246, %swap3A_247], %swap3A_250 {strides = array<i32>} : memref<64x256xf32, #tpu.memory_space<vmem>>, vector<1x16xf32>,
      %get3A_251 = arith.index_cast %min3A_153 : i32 to index
      %get3A_252 = arith.constant 176 : index
      %get3A_253 = tpu.vector_load %arg4[%get3A_251, %get3A_252] {strides = array<i32>} : memref<129x256xf32, #tpu.memory_space<vmem>>, vector<1x16xf32>,
      %get3A_254 = vector.shape_cast %get3A_253 : vector<1x16xf32> to vector<16xf32>
      %swap3A_255 = arith.index_cast %scan3A_149 : i32 to index
      %swap3A_256 = arith.constant 176 : index
      %swap3A_257 = tpu.vector_load %arg5[%swap3A_255, %swap3A_256] {strides = array<i32>} : memref<64x256xf32, #tpu.memory_space<vmem>>, vector<1x16xf32>,
      %swap3A_258 = vector.shape_cast %swap3A_257 : vector<1x16xf32> to vector<16xf32>
      %swap3A_259 = vector.shape_cast %get3A_254 : vector<16xf32> to vector<1x16xf32>
      tpu.vector_store %arg5[%swap3A_255, %swap3A_256], %swap3A_259 {strides = array<i32>} : memref<64x256xf32, #tpu.memory_space<vmem>>, vector<1x16xf32>,
      %get3A_260 = arith.index_cast %min3A_153 : i32 to index
      %get3A_261 = arith.constant 192 : index
      %get3A_262 = tpu.vector_load %arg4[%get3A_260, %get3A_261] {strides = array<i32>} : memref<129x256xf32, #tpu.memory_space<vmem>>, vector<1x16xf32>,
      %get3A_263 = vector.shape_cast %get3A_262 : vector<1x16xf32> to vector<16xf32>
      %swap3A_264 = arith.index_cast %scan3A_149 : i32 to index
      %swap3A_265 = arith.constant 192 : index
      %swap3A_266 = tpu.vector_load %arg5[%swap3A_264, %swap3A_265] {strides = array<i32>} : memref<64x256xf32, #tpu.memory_space<vmem>>, vector<1x16xf32>,
      %swap3A_267 = vector.shape_cast %swap3A_266 : vector<1x16xf32> to vector<16xf32>
      %swap3A_268 = vector.shape_cast %get3A_263 : vector<16xf32> to vector<1x16xf32>
      tpu.vector_store %arg5[%swap3A_264, %swap3A_265], %swap3A_268 {strides = array<i32>} : memref<64x256xf32, #tpu.memory_space<vmem>>, vector<1x16xf32>,
      %get3A_269 = arith.index_cast %min3A_153 : i32 to index
      %get3A_270 = arith.constant 208 : index
      %get3A_271 = tpu.vector_load %arg4[%get3A_269, %get3A_270] {strides = array<i32>} : memref<129x256xf32, #tpu.memory_space<vmem>>, vector<1x16xf32>,
      %get3A_272 = vector.shape_cast %get3A_271 : vector<1x16xf32> to vector<16xf32>
      %swap3A_273 = arith.index_cast %scan3A_149 : i32 to index
      %swap3A_274 = arith.constant 208 : index
      %swap3A_275 = tpu.vector_load %arg5[%swap3A_273, %swap3A_274] {strides = array<i32>} : memref<64x256xf32, #tpu.memory_space<vmem>>, vector<1x16xf32>,
      %swap3A_276 = vector.shape_cast %swap3A_275 : vector<1x16xf32> to vector<16xf32>
      %swap3A_277 = vector.shape_cast %get3A_272 : vector<16xf32> to vector<1x16xf32>
      tpu.vector_store %arg5[%swap3A_273, %swap3A_274], %swap3A_277 {strides = array<i32>} : memref<64x256xf32, #tpu.memory_space<vmem>>, vector<1x16xf32>,
      %get3A_278 = arith.index_cast %min3A_153 : i32 to index
      %get3A_279 = arith.constant 224 : index
      %get3A_280 = tpu.vector_load %arg4[%get3A_278, %get3A_279] {strides = array<i32>} : memref<129x256xf32, #tpu.memory_space<vmem>>, vector<1x16xf32>,
      %get3A_281 = vector.shape_cast %get3A_280 : vector<1x16xf32> to vector<16xf32>
      %swap3A_282 = arith.index_cast %scan3A_149 : i32 to index
      %swap3A_283 = arith.constant 224 : index
      %swap3A_284 = tpu.vector_load %arg5[%swap3A_282, %swap3A_283] {strides = array<i32>} : memref<64x256xf32, #tpu.memory_space<vmem>>, vector<1x16xf32>,
      %swap3A_285 = vector.shape_cast %swap3A_284 : vector<1x16xf32> to vector<16xf32>
      %swap3A_286 = vector.shape_cast %get3A_281 : vector<16xf32> to vector<1x16xf32>
      tpu.vector_store %arg5[%swap3A_282, %swap3A_283], %swap3A_286 {strides = array<i32>} : memref<64x256xf32, #tpu.memory_space<vmem>>, vector<1x16xf32>,
      %get3A_287 = arith.index_cast %min3A_153 : i32 to index
      %get3A_288 = arith.constant 240 : index
      %get3A_289 = tpu.vector_load %arg4[%get3A_287, %get3A_288] {strides = array<i32>} : memref<129x256xf32, #tpu.memory_space<vmem>>, vector<1x16xf32>,
      %get3A_290 = vector.shape_cast %get3A_289 : vector<1x16xf32> to vector<16xf32>
      %swap3A_291 = arith.index_cast %scan3A_149 : i32 to index
      %swap3A_292 = arith.constant 240 : index
      %swap3A_293 = tpu.vector_load %arg5[%swap3A_291, %swap3A_292] {strides = array<i32>} : memref<64x256xf32, #tpu.memory_space<vmem>>, vector<1x16xf32>,
      %swap3A_294 = vector.shape_cast %swap3A_293 : vector<1x16xf32> to vector<16xf32>
      %swap3A_295 = vector.shape_cast %get3A_290 : vector<16xf32> to vector<1x16xf32>
      tpu.vector_store %arg5[%swap3A_291, %swap3A_292], %swap3A_295 {strides = array<i32>} : memref<64x256xf32, #tpu.memory_space<vmem>>, vector<1x16xf32>,
    }
    %scan3A_9 = arith.constant 64 : i32
    %add3A_10 = arith.constant 0 : i32
    %add3A_11 = arith.addi %add3A_10, %min3A_1 : i32
    "tpu.region"() ({
      %run_scoped3A = tpu.sem_alloc : memref<!tpu.dma_semaphore, #tpu.memory_space<semaphore_mem>>
      %dma_start3A_149 = arith.constant 0 : i32
      %dma_start3A_150 = tpu.memref_slice %arg6[%add3A_11, %dma_start3A_149] : memref<4064x256xf32, #tpu.memory_space<vmem_shared>> -> memref<64x256xf32, #tpu.memory_space<vmem_shared>>
      %dma_start3A_151 = arith.constant 0 : i32
      %dma_start3A_152 = tpu.memref_slice %arg6[%add3A_11, %dma_start3A_151] : memref<4064x256xf32, #tpu.memory_space<vmem_shared>> -> memref<64x256xf32, #tpu.memory_space<vmem_shared>>
      tpu.enqueue_dma source(%arg5 : memref<64x256xf32, #tpu.memory_space<vmem>>) target(%dma_start3A_152 : memref<64x256xf32, #tpu.memory_space<vmem_shared>>) target_semaphore(%run_scoped3A : memref<!tpu.dma_semaphore, #tpu.memory_space<semaphore_mem>>)
      %dma_wait3A_153 = arith.constant 0 : i32
      %dma_wait3A_154 = tpu.memref_slice %arg6[%add3A_11, %dma_wait3A_153] : memref<4064x256xf32, #tpu.memory_space<vmem_shared>> -> memref<64x256xf32, #tpu.memory_space<vmem_shared>>
      %dma_wait3A_155 = arith.constant 0 : i32
      %dma_wait3A_156 = tpu.memref_slice %arg6[%add3A_11, %dma_wait3A_155] : memref<4064x256xf32, #tpu.memory_space<vmem_shared>> -> memref<64x256xf32, #tpu.memory_space<vmem_shared>>
      tpu.wait_dma2 semaphore(%run_scoped3A : memref<!tpu.dma_semaphore, #tpu.memory_space<semaphore_mem>>) src(%arg5 : memref<64x256xf32, #tpu.memory_space<vmem>>) dst(%dma_wait3A_156 : memref<64x256xf32, #tpu.memory_space<vmem_shared>>)
      tpu.yield
    }) : () -> ()
    %mul3A_12 = arith.constant 4 : i32
    %mul3A_13 = arith.muli %arg0, %mul3A_12 : i32
    %add3A_14 = arith.constant 1 : i32
    %add3A_15 = arith.addi %mul3A_13, %add3A_14 : i32
    %sub3A_16 = arith.constant 447 : i32
    %sub3A_17 = arith.subi %add3A_15, %sub3A_16 : i32
    %scan3A_18 = arith.constant 0 : i32
    %scan3A_19 = arith.constant 64 : i32
    %scan3A_20 = arith.addi %scan3A_18, %scan3A_19 : i32
    %scan3A_21 = arith.constant 1 : i32
    scf.for %scan3A_149 = %scan3A_18 to %scan3A_20 step %scan3A_21  : i32 {
      %add3A_150 = arith.addi %min3A_1, %scan3A_149 : i32
      %add3A_151 = arith.addi %add3A_150, %sub3A_17 : i32
      %jit3A = arith.constant 0 : i32
      %jit3A_152 = arith.constant 128 : i32
      %max3A = arith.maxsi %jit3A, %add3A_151 : i32
      %min3A_153 = arith.minsi %jit3A_152, %max3A : i32
      %get3A = arith.index_cast %min3A_153 : i32 to index
      %get3A_154 = arith.constant 0 : index
      %get3A_155 = tpu.vector_load %arg4[%get3A, %get3A_154] {strides = array<i32>} : memref<129x256xf32, #tpu.memory_space<vmem>>, vector<1x16xf32>,
      %get3A_156 = vector.shape_cast %get3A_155 : vector<1x16xf32> to vector<16xf32>
      %swap3A = arith.index_cast %scan3A_149 : i32 to index
      %swap3A_157 = arith.constant 0 : index
      %swap3A_158 = tpu.vector_load %arg5[%swap3A, %swap3A_157] {strides = array<i32>} : memref<64x256xf32, #tpu.memory_space<vmem>>, vector<1x16xf32>,
      %swap3A_159 = vector.shape_cast %swap3A_158 : vector<1x16xf32> to vector<16xf32>
      %swap3A_160 = vector.shape_cast %get3A_156 : vector<16xf32> to vector<1x16xf32>
      tpu.vector_store %arg5[%swap3A, %swap3A_157], %swap3A_160 {strides = array<i32>} : memref<64x256xf32, #tpu.memory_space<vmem>>, vector<1x16xf32>,
      %get3A_161 = arith.index_cast %min3A_153 : i32 to index
      %get3A_162 = arith.constant 16 : index
      %get3A_163 = tpu.vector_load %arg4[%get3A_161, %get3A_162] {strides = array<i32>} : memref<129x256xf32, #tpu.memory_space<vmem>>, vector<1x16xf32>,
      %get3A_164 = vector.shape_cast %get3A_163 : vector<1x16xf32> to vector<16xf32>
      %swap3A_165 = arith.index_cast %scan3A_149 : i32 to index
      %swap3A_166 = arith.constant 16 : index
      %swap3A_167 = tpu.vector_load %arg5[%swap3A_165, %swap3A_166] {strides = array<i32>} : memref<64x256xf32, #tpu.memory_space<vmem>>, vector<1x16xf32>,
      %swap3A_168 = vector.shape_cast %swap3A_167 : vector<1x16xf32> to vector<16xf32>
      %swap3A_169 = vector.shape_cast %get3A_164 : vector<16xf32> to vector<1x16xf32>
      tpu.vector_store %arg5[%swap3A_165, %swap3A_166], %swap3A_169 {strides = array<i32>} : memref<64x256xf32, #tpu.memory_space<vmem>>, vector<1x16xf32>,
      %get3A_170 = arith.index_cast %min3A_153 : i32 to index
      %get3A_171 = arith.constant 32 : index
      %get3A_172 = tpu.vector_load %arg4[%get3A_170, %get3A_171] {strides = array<i32>} : memref<129x256xf32, #tpu.memory_space<vmem>>, vector<1x16xf32>,
      %get3A_173 = vector.shape_cast %get3A_172 : vector<1x16xf32> to vector<16xf32>
      %swap3A_174 = arith.index_cast %scan3A_149 : i32 to index
      %swap3A_175 = arith.constant 32 : index
      %swap3A_176 = tpu.vector_load %arg5[%swap3A_174, %swap3A_175] {strides = array<i32>} : memref<64x256xf32, #tpu.memory_space<vmem>>, vector<1x16xf32>,
      %swap3A_177 = vector.shape_cast %swap3A_176 : vector<1x16xf32> to vector<16xf32>
      %swap3A_178 = vector.shape_cast %get3A_173 : vector<16xf32> to vector<1x16xf32>
      tpu.vector_store %arg5[%swap3A_174, %swap3A_175], %swap3A_178 {strides = array<i32>} : memref<64x256xf32, #tpu.memory_space<vmem>>, vector<1x16xf32>,
      %get3A_179 = arith.index_cast %min3A_153 : i32 to index
      %get3A_180 = arith.constant 48 : index
      %get3A_181 = tpu.vector_load %arg4[%get3A_179, %get3A_180] {strides = array<i32>} : memref<129x256xf32, #tpu.memory_space<vmem>>, vector<1x16xf32>,
      %get3A_182 = vector.shape_cast %get3A_181 : vector<1x16xf32> to vector<16xf32>
      %swap3A_183 = arith.index_cast %scan3A_149 : i32 to index
      %swap3A_184 = arith.constant 48 : index
      %swap3A_185 = tpu.vector_load %arg5[%swap3A_183, %swap3A_184] {strides = array<i32>} : memref<64x256xf32, #tpu.memory_space<vmem>>, vector<1x16xf32>,
      %swap3A_186 = vector.shape_cast %swap3A_185 : vector<1x16xf32> to vector<16xf32>
      %swap3A_187 = vector.shape_cast %get3A_182 : vector<16xf32> to vector<1x16xf32>
      tpu.vector_store %arg5[%swap3A_183, %swap3A_184], %swap3A_187 {strides = array<i32>} : memref<64x256xf32, #tpu.memory_space<vmem>>, vector<1x16xf32>,
      %get3A_188 = arith.index_cast %min3A_153 : i32 to index
      %get3A_189 = arith.constant 64 : index
      %get3A_190 = tpu.vector_load %arg4[%get3A_188, %get3A_189] {strides = array<i32>} : memref<129x256xf32, #tpu.memory_space<vmem>>, vector<1x16xf32>,
      %get3A_191 = vector.shape_cast %get3A_190 : vector<1x16xf32> to vector<16xf32>
      %swap3A_192 = arith.index_cast %scan3A_149 : i32 to index
      %swap3A_193 = arith.constant 64 : index
      %swap3A_194 = tpu.vector_load %arg5[%swap3A_192, %swap3A_193] {strides = array<i32>} : memref<64x256xf32, #tpu.memory_space<vmem>>, vector<1x16xf32>,
      %swap3A_195 = vector.shape_cast %swap3A_194 : vector<1x16xf32> to vector<16xf32>
      %swap3A_196 = vector.shape_cast %get3A_191 : vector<16xf32> to vector<1x16xf32>
      tpu.vector_store %arg5[%swap3A_192, %swap3A_193], %swap3A_196 {strides = array<i32>} : memref<64x256xf32, #tpu.memory_space<vmem>>, vector<1x16xf32>,
      %get3A_197 = arith.index_cast %min3A_153 : i32 to index
      %get3A_198 = arith.constant 80 : index
      %get3A_199 = tpu.vector_load %arg4[%get3A_197, %get3A_198] {strides = array<i32>} : memref<129x256xf32, #tpu.memory_space<vmem>>, vector<1x16xf32>,
      %get3A_200 = vector.shape_cast %get3A_199 : vector<1x16xf32> to vector<16xf32>
      %swap3A_201 = arith.index_cast %scan3A_149 : i32 to index
      %swap3A_202 = arith.constant 80 : index
      %swap3A_203 = tpu.vector_load %arg5[%swap3A_201, %swap3A_202] {strides = array<i32>} : memref<64x256xf32, #tpu.memory_space<vmem>>, vector<1x16xf32>,
      %swap3A_204 = vector.shape_cast %swap3A_203 : vector<1x16xf32> to vector<16xf32>
      %swap3A_205 = vector.shape_cast %get3A_200 : vector<16xf32> to vector<1x16xf32>
      tpu.vector_store %arg5[%swap3A_201, %swap3A_202], %swap3A_205 {strides = array<i32>} : memref<64x256xf32, #tpu.memory_space<vmem>>, vector<1x16xf32>,
      %get3A_206 = arith.index_cast %min3A_153 : i32 to index
      %get3A_207 = arith.constant 96 : index
      %get3A_208 = tpu.vector_load %arg4[%get3A_206, %get3A_207] {strides = array<i32>} : memref<129x256xf32, #tpu.memory_space<vmem>>, vector<1x16xf32>,
      %get3A_209 = vector.shape_cast %get3A_208 : vector<1x16xf32> to vector<16xf32>
      %swap3A_210 = arith.index_cast %scan3A_149 : i32 to index
      %swap3A_211 = arith.constant 96 : index
      %swap3A_212 = tpu.vector_load %arg5[%swap3A_210, %swap3A_211] {strides = array<i32>} : memref<64x256xf32, #tpu.memory_space<vmem>>, vector<1x16xf32>,
      %swap3A_213 = vector.shape_cast %swap3A_212 : vector<1x16xf32> to vector<16xf32>
      %swap3A_214 = vector.shape_cast %get3A_209 : vector<16xf32> to vector<1x16xf32>
      tpu.vector_store %arg5[%swap3A_210, %swap3A_211], %swap3A_214 {strides = array<i32>} : memref<64x256xf32, #tpu.memory_space<vmem>>, vector<1x16xf32>,
      %get3A_215 = arith.index_cast %min3A_153 : i32 to index
      %get3A_216 = arith.constant 112 : index
      %get3A_217 = tpu.vector_load %arg4[%get3A_215, %get3A_216] {strides = array<i32>} : memref<129x256xf32, #tpu.memory_space<vmem>>, vector<1x16xf32>,
      %get3A_218 = vector.shape_cast %get3A_217 : vector<1x16xf32> to vector<16xf32>
      %swap3A_219 = arith.index_cast %scan3A_149 : i32 to index
      %swap3A_220 = arith.constant 112 : index
      %swap3A_221 = tpu.vector_load %arg5[%swap3A_219, %swap3A_220] {strides = array<i32>} : memref<64x256xf32, #tpu.memory_space<vmem>>, vector<1x16xf32>,
      %swap3A_222 = vector.shape_cast %swap3A_221 : vector<1x16xf32> to vector<16xf32>
      %swap3A_223 = vector.shape_cast %get3A_218 : vector<16xf32> to vector<1x16xf32>
      tpu.vector_store %arg5[%swap3A_219, %swap3A_220], %swap3A_223 {strides = array<i32>} : memref<64x256xf32, #tpu.memory_space<vmem>>, vector<1x16xf32>,
      %get3A_224 = arith.index_cast %min3A_153 : i32 to index
      %get3A_225 = arith.constant 128 : index
      %get3A_226 = tpu.vector_load %arg4[%get3A_224, %get3A_225] {strides = array<i32>} : memref<129x256xf32, #tpu.memory_space<vmem>>, vector<1x16xf32>,
      %get3A_227 = vector.shape_cast %get3A_226 : vector<1x16xf32> to vector<16xf32>
      %swap3A_228 = arith.index_cast %scan3A_149 : i32 to index
      %swap3A_229 = arith.constant 128 : index
      %swap3A_230 = tpu.vector_load %arg5[%swap3A_228, %swap3A_229] {strides = array<i32>} : memref<64x256xf32, #tpu.memory_space<vmem>>, vector<1x16xf32>,
      %swap3A_231 = vector.shape_cast %swap3A_230 : vector<1x16xf32> to vector<16xf32>
      %swap3A_232 = vector.shape_cast %get3A_227 : vector<16xf32> to vector<1x16xf32>
      tpu.vector_store %arg5[%swap3A_228, %swap3A_229], %swap3A_232 {strides = array<i32>} : memref<64x256xf32, #tpu.memory_space<vmem>>, vector<1x16xf32>,
      %get3A_233 = arith.index_cast %min3A_153 : i32 to index
      %get3A_234 = arith.constant 144 : index
      %get3A_235 = tpu.vector_load %arg4[%get3A_233, %get3A_234] {strides = array<i32>} : memref<129x256xf32, #tpu.memory_space<vmem>>, vector<1x16xf32>,
      %get3A_236 = vector.shape_cast %get3A_235 : vector<1x16xf32> to vector<16xf32>
      %swap3A_237 = arith.index_cast %scan3A_149 : i32 to index
      %swap3A_238 = arith.constant 144 : index
      %swap3A_239 = tpu.vector_load %arg5[%swap3A_237, %swap3A_238] {strides = array<i32>} : memref<64x256xf32, #tpu.memory_space<vmem>>, vector<1x16xf32>,
      %swap3A_240 = vector.shape_cast %swap3A_239 : vector<1x16xf32> to vector<16xf32>
      %swap3A_241 = vector.shape_cast %get3A_236 : vector<16xf32> to vector<1x16xf32>
      tpu.vector_store %arg5[%swap3A_237, %swap3A_238], %swap3A_241 {strides = array<i32>} : memref<64x256xf32, #tpu.memory_space<vmem>>, vector<1x16xf32>,
      %get3A_242 = arith.index_cast %min3A_153 : i32 to index
      %get3A_243 = arith.constant 160 : index
      %get3A_244 = tpu.vector_load %arg4[%get3A_242, %get3A_243] {strides = array<i32>} : memref<129x256xf32, #tpu.memory_space<vmem>>, vector<1x16xf32>,
      %get3A_245 = vector.shape_cast %get3A_244 : vector<1x16xf32> to vector<16xf32>
      %swap3A_246 = arith.index_cast %scan3A_149 : i32 to index
      %swap3A_247 = arith.constant 160 : index
      %swap3A_248 = tpu.vector_load %arg5[%swap3A_246, %swap3A_247] {strides = array<i32>} : memref<64x256xf32, #tpu.memory_space<vmem>>, vector<1x16xf32>,
      %swap3A_249 = vector.shape_cast %swap3A_248 : vector<1x16xf32> to vector<16xf32>
      %swap3A_250 = vector.shape_cast %get3A_245 : vector<16xf32> to vector<1x16xf32>
      tpu.vector_store %arg5[%swap3A_246, %swap3A_247], %swap3A_250 {strides = array<i32>} : memref<64x256xf32, #tpu.memory_space<vmem>>, vector<1x16xf32>,
      %get3A_251 = arith.index_cast %min3A_153 : i32 to index
      %get3A_252 = arith.constant 176 : index
      %get3A_253 = tpu.vector_load %arg4[%get3A_251, %get3A_252] {strides = array<i32>} : memref<129x256xf32, #tpu.memory_space<vmem>>, vector<1x16xf32>,
      %get3A_254 = vector.shape_cast %get3A_253 : vector<1x16xf32> to vector<16xf32>
      %swap3A_255 = arith.index_cast %scan3A_149 : i32 to index
      %swap3A_256 = arith.constant 176 : index
      %swap3A_257 = tpu.vector_load %arg5[%swap3A_255, %swap3A_256] {strides = array<i32>} : memref<64x256xf32, #tpu.memory_space<vmem>>, vector<1x16xf32>,
      %swap3A_258 = vector.shape_cast %swap3A_257 : vector<1x16xf32> to vector<16xf32>
      %swap3A_259 = vector.shape_cast %get3A_254 : vector<16xf32> to vector<1x16xf32>
      tpu.vector_store %arg5[%swap3A_255, %swap3A_256], %swap3A_259 {strides = array<i32>} : memref<64x256xf32, #tpu.memory_space<vmem>>, vector<1x16xf32>,
      %get3A_260 = arith.index_cast %min3A_153 : i32 to index
      %get3A_261 = arith.constant 192 : index
      %get3A_262 = tpu.vector_load %arg4[%get3A_260, %get3A_261] {strides = array<i32>} : memref<129x256xf32, #tpu.memory_space<vmem>>, vector<1x16xf32>,
      %get3A_263 = vector.shape_cast %get3A_262 : vector<1x16xf32> to vector<16xf32>
      %swap3A_264 = arith.index_cast %scan3A_149 : i32 to index
      %swap3A_265 = arith.constant 192 : index
      %swap3A_266 = tpu.vector_load %arg5[%swap3A_264, %swap3A_265] {strides = array<i32>} : memref<64x256xf32, #tpu.memory_space<vmem>>, vector<1x16xf32>,
      %swap3A_267 = vector.shape_cast %swap3A_266 : vector<1x16xf32> to vector<16xf32>
      %swap3A_268 = vector.shape_cast %get3A_263 : vector<16xf32> to vector<1x16xf32>
      tpu.vector_store %arg5[%swap3A_264, %swap3A_265], %swap3A_268 {strides = array<i32>} : memref<64x256xf32, #tpu.memory_space<vmem>>, vector<1x16xf32>,
      %get3A_269 = arith.index_cast %min3A_153 : i32 to index
      %get3A_270 = arith.constant 208 : index
      %get3A_271 = tpu.vector_load %arg4[%get3A_269, %get3A_270] {strides = array<i32>} : memref<129x256xf32, #tpu.memory_space<vmem>>, vector<1x16xf32>,
      %get3A_272 = vector.shape_cast %get3A_271 : vector<1x16xf32> to vector<16xf32>
      %swap3A_273 = arith.index_cast %scan3A_149 : i32 to index
      %swap3A_274 = arith.constant 208 : index
      %swap3A_275 = tpu.vector_load %arg5[%swap3A_273, %swap3A_274] {strides = array<i32>} : memref<64x256xf32, #tpu.memory_space<vmem>>, vector<1x16xf32>,
      %swap3A_276 = vector.shape_cast %swap3A_275 : vector<1x16xf32> to vector<16xf32>
      %swap3A_277 = vector.shape_cast %get3A_272 : vector<16xf32> to vector<1x16xf32>
      tpu.vector_store %arg5[%swap3A_273, %swap3A_274], %swap3A_277 {strides = array<i32>} : memref<64x256xf32, #tpu.memory_space<vmem>>, vector<1x16xf32>,
      %get3A_278 = arith.index_cast %min3A_153 : i32 to index
      %get3A_279 = arith.constant 224 : index
      %get3A_280 = tpu.vector_load %arg4[%get3A_278, %get3A_279] {strides = array<i32>} : memref<129x256xf32, #tpu.memory_space<vmem>>, vector<1x16xf32>,
      %get3A_281 = vector.shape_cast %get3A_280 : vector<1x16xf32> to vector<16xf32>
      %swap3A_282 = arith.index_cast %scan3A_149 : i32 to index
      %swap3A_283 = arith.constant 224 : index
      %swap3A_284 = tpu.vector_load %arg5[%swap3A_282, %swap3A_283] {strides = array<i32>} : memref<64x256xf32, #tpu.memory_space<vmem>>, vector<1x16xf32>,
      %swap3A_285 = vector.shape_cast %swap3A_284 : vector<1x16xf32> to vector<16xf32>
      %swap3A_286 = vector.shape_cast %get3A_281 : vector<16xf32> to vector<1x16xf32>
      tpu.vector_store %arg5[%swap3A_282, %swap3A_283], %swap3A_286 {strides = array<i32>} : memref<64x256xf32, #tpu.memory_space<vmem>>, vector<1x16xf32>,
      %get3A_287 = arith.index_cast %min3A_153 : i32 to index
      %get3A_288 = arith.constant 240 : index
      %get3A_289 = tpu.vector_load %arg4[%get3A_287, %get3A_288] {strides = array<i32>} : memref<129x256xf32, #tpu.memory_space<vmem>>, vector<1x16xf32>,
      %get3A_290 = vector.shape_cast %get3A_289 : vector<1x16xf32> to vector<16xf32>
      %swap3A_291 = arith.index_cast %scan3A_149 : i32 to index
      %swap3A_292 = arith.constant 240 : index
      %swap3A_293 = tpu.vector_load %arg5[%swap3A_291, %swap3A_292] {strides = array<i32>} : memref<64x256xf32, #tpu.memory_space<vmem>>, vector<1x16xf32>,
      %swap3A_294 = vector.shape_cast %swap3A_293 : vector<1x16xf32> to vector<16xf32>
      %swap3A_295 = vector.shape_cast %get3A_290 : vector<16xf32> to vector<1x16xf32>
      tpu.vector_store %arg5[%swap3A_291, %swap3A_292], %swap3A_295 {strides = array<i32>} : memref<64x256xf32, #tpu.memory_space<vmem>>, vector<1x16xf32>,
    }
    %scan3A_22 = arith.constant 64 : i32
    %add3A_23 = arith.constant 1016 : i32
    %add3A_24 = arith.addi %add3A_23, %min3A_1 : i32
    "tpu.region"() ({
      %run_scoped3A = tpu.sem_alloc : memref<!tpu.dma_semaphore, #tpu.memory_space<semaphore_mem>>
      %dma_start3A_149 = arith.constant 0 : i32
      %dma_start3A_150 = tpu.memref_slice %arg6[%add3A_24, %dma_start3A_149] : memref<4064x256xf32, #tpu.memory_space<vmem_shared>> -> memref<64x256xf32, #tpu.memory_space<vmem_shared>>
      %dma_start3A_151 = arith.constant 0 : i32
      %dma_start3A_152 = tpu.memref_slice %arg6[%add3A_24, %dma_start3A_151] : memref<4064x256xf32, #tpu.memory_space<vmem_shared>> -> memref<64x256xf32, #tpu.memory_space<vmem_shared>>
      tpu.enqueue_dma source(%arg5 : memref<64x256xf32, #tpu.memory_space<vmem>>) target(%dma_start3A_152 : memref<64x256xf32, #tpu.memory_space<vmem_shared>>) target_semaphore(%run_scoped3A : memref<!tpu.dma_semaphore, #tpu.memory_space<semaphore_mem>>)
      %dma_wait3A_153 = arith.constant 0 : i32
      %dma_wait3A_154 = tpu.memref_slice %arg6[%add3A_24, %dma_wait3A_153] : memref<4064x256xf32, #tpu.memory_space<vmem_shared>> -> memref<64x256xf32, #tpu.memory_space<vmem_shared>>
      %dma_wait3A_155 = arith.constant 0 : i32
      %dma_wait3A_156 = tpu.memref_slice %arg6[%add3A_24, %dma_wait3A_155] : memref<4064x256xf32, #tpu.memory_space<vmem_shared>> -> memref<64x256xf32, #tpu.memory_space<vmem_shared>>
      tpu.wait_dma2 semaphore(%run_scoped3A : memref<!tpu.dma_semaphore, #tpu.memory_space<semaphore_mem>>) src(%arg5 : memref<64x256xf32, #tpu.memory_space<vmem>>) dst(%dma_wait3A_156 : memref<64x256xf32, #tpu.memory_space<vmem_shared>>)
      tpu.yield
    }) : () -> ()
    %mul3A_25 = arith.constant 4 : i32
    %mul3A_26 = arith.muli %arg0, %mul3A_25 : i32
    %add3A_27 = arith.constant 2 : i32
    %add3A_28 = arith.addi %mul3A_26, %add3A_27 : i32
    %sub3A_29 = arith.constant 447 : i32
    %sub3A_30 = arith.subi %add3A_28, %sub3A_29 : i32
    %scan3A_31 = arith.constant 0 : i32
    %scan3A_32 = arith.constant 64 : i32
    %scan3A_33 = arith.addi %scan3A_31, %scan3A_32 : i32
    %scan3A_34 = arith.constant 1 : i32
    scf.for %scan3A_149 = %scan3A_31 to %scan3A_33 step %scan3A_34  : i32 {
      %add3A_150 = arith.addi %min3A_1, %scan3A_149 : i32
      %add3A_151 = arith.addi %add3A_150, %sub3A_30 : i32
      %jit3A = arith.constant 0 : i32
      %jit3A_152 = arith.constant 128 : i32
      %max3A = arith.maxsi %jit3A, %add3A_151 : i32
      %min3A_153 = arith.minsi %jit3A_152, %max3A : i32
      %get3A = arith.index_cast %min3A_153 : i32 to index
      %get3A_154 = arith.constant 0 : index
      %get3A_155 = tpu.vector_load %arg4[%get3A, %get3A_154] {strides = array<i32>} : memref<129x256xf32, #tpu.memory_space<vmem>>, vector<1x16xf32>,
      %get3A_156 = vector.shape_cast %get3A_155 : vector<1x16xf32> to vector<16xf32>
      %swap3A = arith.index_cast %scan3A_149 : i32 to index
      %swap3A_157 = arith.constant 0 : index
      %swap3A_158 = tpu.vector_load %arg5[%swap3A, %swap3A_157] {strides = array<i32>} : memref<64x256xf32, #tpu.memory_space<vmem>>, vector<1x16xf32>,
      %swap3A_159 = vector.shape_cast %swap3A_158 : vector<1x16xf32> to vector<16xf32>
      %swap3A_160 = vector.shape_cast %get3A_156 : vector<16xf32> to vector<1x16xf32>
      tpu.vector_store %arg5[%swap3A, %swap3A_157], %swap3A_160 {strides = array<i32>} : memref<64x256xf32, #tpu.memory_space<vmem>>, vector<1x16xf32>,
      %get3A_161 = arith.index_cast %min3A_153 : i32 to index
      %get3A_162 = arith.constant 16 : index
      %get3A_163 = tpu.vector_load %arg4[%get3A_161, %get3A_162] {strides = array<i32>} : memref<129x256xf32, #tpu.memory_space<vmem>>, vector<1x16xf32>,
      %get3A_164 = vector.shape_cast %get3A_163 : vector<1x16xf32> to vector<16xf32>
      %swap3A_165 = arith.index_cast %scan3A_149 : i32 to index
      %swap3A_166 = arith.constant 16 : index
      %swap3A_167 = tpu.vector_load %arg5[%swap3A_165, %swap3A_166] {strides = array<i32>} : memref<64x256xf32, #tpu.memory_space<vmem>>, vector<1x16xf32>,
      %swap3A_168 = vector.shape_cast %swap3A_167 : vector<1x16xf32> to vector<16xf32>
      %swap3A_169 = vector.shape_cast %get3A_164 : vector<16xf32> to vector<1x16xf32>
      tpu.vector_store %arg5[%swap3A_165, %swap3A_166], %swap3A_169 {strides = array<i32>} : memref<64x256xf32, #tpu.memory_space<vmem>>, vector<1x16xf32>,
      %get3A_170 = arith.index_cast %min3A_153 : i32 to index
      %get3A_171 = arith.constant 32 : index
      %get3A_172 = tpu.vector_load %arg4[%get3A_170, %get3A_171] {strides = array<i32>} : memref<129x256xf32, #tpu.memory_space<vmem>>, vector<1x16xf32>,
      %get3A_173 = vector.shape_cast %get3A_172 : vector<1x16xf32> to vector<16xf32>
      %swap3A_174 = arith.index_cast %scan3A_149 : i32 to index
      %swap3A_175 = arith.constant 32 : index
      %swap3A_176 = tpu.vector_load %arg5[%swap3A_174, %swap3A_175] {strides = array<i32>} : memref<64x256xf32, #tpu.memory_space<vmem>>, vector<1x16xf32>,
      %swap3A_177 = vector.shape_cast %swap3A_176 : vector<1x16xf32> to vector<16xf32>
      %swap3A_178 = vector.shape_cast %get3A_173 : vector<16xf32> to vector<1x16xf32>
      tpu.vector_store %arg5[%swap3A_174, %swap3A_175], %swap3A_178 {strides = array<i32>} : memref<64x256xf32, #tpu.memory_space<vmem>>, vector<1x16xf32>,
      %get3A_179 = arith.index_cast %min3A_153 : i32 to index
      %get3A_180 = arith.constant 48 : index
      %get3A_181 = tpu.vector_load %arg4[%get3A_179, %get3A_180] {strides = array<i32>} : memref<129x256xf32, #tpu.memory_space<vmem>>, vector<1x16xf32>,
      %get3A_182 = vector.shape_cast %get3A_181 : vector<1x16xf32> to vector<16xf32>
      %swap3A_183 = arith.index_cast %scan3A_149 : i32 to index
      %swap3A_184 = arith.constant 48 : index
      %swap3A_185 = tpu.vector_load %arg5[%swap3A_183, %swap3A_184] {strides = array<i32>} : memref<64x256xf32, #tpu.memory_space<vmem>>, vector<1x16xf32>,
      %swap3A_186 = vector.shape_cast %swap3A_185 : vector<1x16xf32> to vector<16xf32>
      %swap3A_187 = vector.shape_cast %get3A_182 : vector<16xf32> to vector<1x16xf32>
      tpu.vector_store %arg5[%swap3A_183, %swap3A_184], %swap3A_187 {strides = array<i32>} : memref<64x256xf32, #tpu.memory_space<vmem>>, vector<1x16xf32>,
      %get3A_188 = arith.index_cast %min3A_153 : i32 to index
      %get3A_189 = arith.constant 64 : index
      %get3A_190 = tpu.vector_load %arg4[%get3A_188, %get3A_189] {strides = array<i32>} : memref<129x256xf32, #tpu.memory_space<vmem>>, vector<1x16xf32>,
      %get3A_191 = vector.shape_cast %get3A_190 : vector<1x16xf32> to vector<16xf32>
      %swap3A_192 = arith.index_cast %scan3A_149 : i32 to index
      %swap3A_193 = arith.constant 64 : index
      %swap3A_194 = tpu.vector_load %arg5[%swap3A_192, %swap3A_193] {strides = array<i32>} : memref<64x256xf32, #tpu.memory_space<vmem>>, vector<1x16xf32>,
      %swap3A_195 = vector.shape_cast %swap3A_194 : vector<1x16xf32> to vector<16xf32>
      %swap3A_196 = vector.shape_cast %get3A_191 : vector<16xf32> to vector<1x16xf32>
      tpu.vector_store %arg5[%swap3A_192, %swap3A_193], %swap3A_196 {strides = array<i32>} : memref<64x256xf32, #tpu.memory_space<vmem>>, vector<1x16xf32>,
      %get3A_197 = arith.index_cast %min3A_153 : i32 to index
      %get3A_198 = arith.constant 80 : index
      %get3A_199 = tpu.vector_load %arg4[%get3A_197, %get3A_198] {strides = array<i32>} : memref<129x256xf32, #tpu.memory_space<vmem>>, vector<1x16xf32>,
      %get3A_200 = vector.shape_cast %get3A_199 : vector<1x16xf32> to vector<16xf32>
      %swap3A_201 = arith.index_cast %scan3A_149 : i32 to index
      %swap3A_202 = arith.constant 80 : index
      %swap3A_203 = tpu.vector_load %arg5[%swap3A_201, %swap3A_202] {strides = array<i32>} : memref<64x256xf32, #tpu.memory_space<vmem>>, vector<1x16xf32>,
      %swap3A_204 = vector.shape_cast %swap3A_203 : vector<1x16xf32> to vector<16xf32>
      %swap3A_205 = vector.shape_cast %get3A_200 : vector<16xf32> to vector<1x16xf32>
      tpu.vector_store %arg5[%swap3A_201, %swap3A_202], %swap3A_205 {strides = array<i32>} : memref<64x256xf32, #tpu.memory_space<vmem>>, vector<1x16xf32>,
      %get3A_206 = arith.index_cast %min3A_153 : i32 to index
      %get3A_207 = arith.constant 96 : index
      %get3A_208 = tpu.vector_load %arg4[%get3A_206, %get3A_207] {strides = array<i32>} : memref<129x256xf32, #tpu.memory_space<vmem>>, vector<1x16xf32>,
      %get3A_209 = vector.shape_cast %get3A_208 : vector<1x16xf32> to vector<16xf32>
      %swap3A_210 = arith.index_cast %scan3A_149 : i32 to index
      %swap3A_211 = arith.constant 96 : index
      %swap3A_212 = tpu.vector_load %arg5[%swap3A_210, %swap3A_211] {strides = array<i32>} : memref<64x256xf32, #tpu.memory_space<vmem>>, vector<1x16xf32>,
      %swap3A_213 = vector.shape_cast %swap3A_212 : vector<1x16xf32> to vector<16xf32>
      %swap3A_214 = vector.shape_cast %get3A_209 : vector<16xf32> to vector<1x16xf32>
      tpu.vector_store %arg5[%swap3A_210, %swap3A_211], %swap3A_214 {strides = array<i32>} : memref<64x256xf32, #tpu.memory_space<vmem>>, vector<1x16xf32>,
      %get3A_215 = arith.index_cast %min3A_153 : i32 to index
      %get3A_216 = arith.constant 112 : index
      %get3A_217 = tpu.vector_load %arg4[%get3A_215, %get3A_216] {strides = array<i32>} : memref<129x256xf32, #tpu.memory_space<vmem>>, vector<1x16xf32>,
      %get3A_218 = vector.shape_cast %get3A_217 : vector<1x16xf32> to vector<16xf32>
      %swap3A_219 = arith.index_cast %scan3A_149 : i32 to index
      %swap3A_220 = arith.constant 112 : index
      %swap3A_221 = tpu.vector_load %arg5[%swap3A_219, %swap3A_220] {strides = array<i32>} : memref<64x256xf32, #tpu.memory_space<vmem>>, vector<1x16xf32>,
      %swap3A_222 = vector.shape_cast %swap3A_221 : vector<1x16xf32> to vector<16xf32>
      %swap3A_223 = vector.shape_cast %get3A_218 : vector<16xf32> to vector<1x16xf32>
      tpu.vector_store %arg5[%swap3A_219, %swap3A_220], %swap3A_223 {strides = array<i32>} : memref<64x256xf32, #tpu.memory_space<vmem>>, vector<1x16xf32>,
      %get3A_224 = arith.index_cast %min3A_153 : i32 to index
      %get3A_225 = arith.constant 128 : index
      %get3A_226 = tpu.vector_load %arg4[%get3A_224, %get3A_225] {strides = array<i32>} : memref<129x256xf32, #tpu.memory_space<vmem>>, vector<1x16xf32>,
      %get3A_227 = vector.shape_cast %get3A_226 : vector<1x16xf32> to vector<16xf32>
      %swap3A_228 = arith.index_cast %scan3A_149 : i32 to index
      %swap3A_229 = arith.constant 128 : index
      %swap3A_230 = tpu.vector_load %arg5[%swap3A_228, %swap3A_229] {strides = array<i32>} : memref<64x256xf32, #tpu.memory_space<vmem>>, vector<1x16xf32>,
      %swap3A_231 = vector.shape_cast %swap3A_230 : vector<1x16xf32> to vector<16xf32>
      %swap3A_232 = vector.shape_cast %get3A_227 : vector<16xf32> to vector<1x16xf32>
      tpu.vector_store %arg5[%swap3A_228, %swap3A_229], %swap3A_232 {strides = array<i32>} : memref<64x256xf32, #tpu.memory_space<vmem>>, vector<1x16xf32>,
      %get3A_233 = arith.index_cast %min3A_153 : i32 to index
      %get3A_234 = arith.constant 144 : index
      %get3A_235 = tpu.vector_load %arg4[%get3A_233, %get3A_234] {strides = array<i32>} : memref<129x256xf32, #tpu.memory_space<vmem>>, vector<1x16xf32>,
      %get3A_236 = vector.shape_cast %get3A_235 : vector<1x16xf32> to vector<16xf32>
      %swap3A_237 = arith.index_cast %scan3A_149 : i32 to index
      %swap3A_238 = arith.constant 144 : index
      %swap3A_239 = tpu.vector_load %arg5[%swap3A_237, %swap3A_238] {strides = array<i32>} : memref<64x256xf32, #tpu.memory_space<vmem>>, vector<1x16xf32>,
      %swap3A_240 = vector.shape_cast %swap3A_239 : vector<1x16xf32> to vector<16xf32>
      %swap3A_241 = vector.shape_cast %get3A_236 : vector<16xf32> to vector<1x16xf32>
      tpu.vector_store %arg5[%swap3A_237, %swap3A_238], %swap3A_241 {strides = array<i32>} : memref<64x256xf32, #tpu.memory_space<vmem>>, vector<1x16xf32>,
      %get3A_242 = arith.index_cast %min3A_153 : i32 to index
      %get3A_243 = arith.constant 160 : index
      %get3A_244 = tpu.vector_load %arg4[%get3A_242, %get3A_243] {strides = array<i32>} : memref<129x256xf32, #tpu.memory_space<vmem>>, vector<1x16xf32>,
      %get3A_245 = vector.shape_cast %get3A_244 : vector<1x16xf32> to vector<16xf32>
      %swap3A_246 = arith.index_cast %scan3A_149 : i32 to index
      %swap3A_247 = arith.constant 160 : index
      %swap3A_248 = tpu.vector_load %arg5[%swap3A_246, %swap3A_247] {strides = array<i32>} : memref<64x256xf32, #tpu.memory_space<vmem>>, vector<1x16xf32>,
      %swap3A_249 = vector.shape_cast %swap3A_248 : vector<1x16xf32> to vector<16xf32>
      %swap3A_250 = vector.shape_cast %get3A_245 : vector<16xf32> to vector<1x16xf32>
      tpu.vector_store %arg5[%swap3A_246, %swap3A_247], %swap3A_250 {strides = array<i32>} : memref<64x256xf32, #tpu.memory_space<vmem>>, vector<1x16xf32>,
      %get3A_251 = arith.index_cast %min3A_153 : i32 to index
      %get3A_252 = arith.constant 176 : index
      %get3A_253 = tpu.vector_load %arg4[%get3A_251, %get3A_252] {strides = array<i32>} : memref<129x256xf32, #tpu.memory_space<vmem>>, vector<1x16xf32>,
      %get3A_254 = vector.shape_cast %get3A_253 : vector<1x16xf32> to vector<16xf32>
      %swap3A_255 = arith.index_cast %scan3A_149 : i32 to index
      %swap3A_256 = arith.constant 176 : index
      %swap3A_257 = tpu.vector_load %arg5[%swap3A_255, %swap3A_256] {strides = array<i32>} : memref<64x256xf32, #tpu.memory_space<vmem>>, vector<1x16xf32>,
      %swap3A_258 = vector.shape_cast %swap3A_257 : vector<1x16xf32> to vector<16xf32>
      %swap3A_259 = vector.shape_cast %get3A_254 : vector<16xf32> to vector<1x16xf32>
      tpu.vector_store %arg5[%swap3A_255, %swap3A_256], %swap3A_259 {strides = array<i32>} : memref<64x256xf32, #tpu.memory_space<vmem>>, vector<1x16xf32>,
      %get3A_260 = arith.index_cast %min3A_153 : i32 to index
      %get3A_261 = arith.constant 192 : index
      %get3A_262 = tpu.vector_load %arg4[%get3A_260, %get3A_261] {strides = array<i32>} : memref<129x256xf32, #tpu.memory_space<vmem>>, vector<1x16xf32>,
      %get3A_263 = vector.shape_cast %get3A_262 : vector<1x16xf32> to vector<16xf32>
      %swap3A_264 = arith.index_cast %scan3A_149 : i32 to index
      %swap3A_265 = arith.constant 192 : index
      %swap3A_266 = tpu.vector_load %arg5[%swap3A_264, %swap3A_265] {strides = array<i32>} : memref<64x256xf32, #tpu.memory_space<vmem>>, vector<1x16xf32>,
      %swap3A_267 = vector.shape_cast %swap3A_266 : vector<1x16xf32> to vector<16xf32>
      %swap3A_268 = vector.shape_cast %get3A_263 : vector<16xf32> to vector<1x16xf32>
      tpu.vector_store %arg5[%swap3A_264, %swap3A_265], %swap3A_268 {strides = array<i32>} : memref<64x256xf32, #tpu.memory_space<vmem>>, vector<1x16xf32>,
      %get3A_269 = arith.index_cast %min3A_153 : i32 to index
      %get3A_270 = arith.constant 208 : index
      %get3A_271 = tpu.vector_load %arg4[%get3A_269, %get3A_270] {strides = array<i32>} : memref<129x256xf32, #tpu.memory_space<vmem>>, vector<1x16xf32>,
      %get3A_272 = vector.shape_cast %get3A_271 : vector<1x16xf32> to vector<16xf32>
      %swap3A_273 = arith.index_cast %scan3A_149 : i32 to index
      %swap3A_274 = arith.constant 208 : index
      %swap3A_275 = tpu.vector_load %arg5[%swap3A_273, %swap3A_274] {strides = array<i32>} : memref<64x256xf32, #tpu.memory_space<vmem>>, vector<1x16xf32>,
      %swap3A_276 = vector.shape_cast %swap3A_275 : vector<1x16xf32> to vector<16xf32>
      %swap3A_277 = vector.shape_cast %get3A_272 : vector<16xf32> to vector<1x16xf32>
      tpu.vector_store %arg5[%swap3A_273, %swap3A_274], %swap3A_277 {strides = array<i32>} : memref<64x256xf32, #tpu.memory_space<vmem>>, vector<1x16xf32>,
      %get3A_278 = arith.index_cast %min3A_153 : i32 to index
      %get3A_279 = arith.constant 224 : index
      %get3A_280 = tpu.vector_load %arg4[%get3A_278, %get3A_279] {strides = array<i32>} : memref<129x256xf32, #tpu.memory_space<vmem>>, vector<1x16xf32>,
      %get3A_281 = vector.shape_cast %get3A_280 : vector<1x16xf32> to vector<16xf32>
      %swap3A_282 = arith.index_cast %scan3A_149 : i32 to index
      %swap3A_283 = arith.constant 224 : index
      %swap3A_284 = tpu.vector_load %arg5[%swap3A_282, %swap3A_283] {strides = array<i32>} : memref<64x256xf32, #tpu.memory_space<vmem>>, vector<1x16xf32>,
      %swap3A_285 = vector.shape_cast %swap3A_284 : vector<1x16xf32> to vector<16xf32>
      %swap3A_286 = vector.shape_cast %get3A_281 : vector<16xf32> to vector<1x16xf32>
      tpu.vector_store %arg5[%swap3A_282, %swap3A_283], %swap3A_286 {strides = array<i32>} : memref<64x256xf32, #tpu.memory_space<vmem>>, vector<1x16xf32>,
      %get3A_287 = arith.index_cast %min3A_153 : i32 to index
      %get3A_288 = arith.constant 240 : index
      %get3A_289 = tpu.vector_load %arg4[%get3A_287, %get3A_288] {strides = array<i32>} : memref<129x256xf32, #tpu.memory_space<vmem>>, vector<1x16xf32>,
      %get3A_290 = vector.shape_cast %get3A_289 : vector<1x16xf32> to vector<16xf32>
      %swap3A_291 = arith.index_cast %scan3A_149 : i32 to index
      %swap3A_292 = arith.constant 240 : index
      %swap3A_293 = tpu.vector_load %arg5[%swap3A_291, %swap3A_292] {strides = array<i32>} : memref<64x256xf32, #tpu.memory_space<vmem>>, vector<1x16xf32>,
      %swap3A_294 = vector.shape_cast %swap3A_293 : vector<1x16xf32> to vector<16xf32>
      %swap3A_295 = vector.shape_cast %get3A_290 : vector<16xf32> to vector<1x16xf32>
      tpu.vector_store %arg5[%swap3A_291, %swap3A_292], %swap3A_295 {strides = array<i32>} : memref<64x256xf32, #tpu.memory_space<vmem>>, vector<1x16xf32>,
    }
    %scan3A_35 = arith.constant 64 : i32
    %add3A_36 = arith.constant 2032 : i32
    %add3A_37 = arith.addi %add3A_36, %min3A_1 : i32
    "tpu.region"() ({
      %run_scoped3A = tpu.sem_alloc : memref<!tpu.dma_semaphore, #tpu.memory_space<semaphore_mem>>
      %dma_start3A_149 = arith.constant 0 : i32
      %dma_start3A_150 = tpu.memref_slice %arg6[%add3A_37, %dma_start3A_149] : memref<4064x256xf32, #tpu.memory_space<vmem_shared>> -> memref<64x256xf32, #tpu.memory_space<vmem_shared>>
      %dma_start3A_151 = arith.constant 0 : i32
      %dma_start3A_152 = tpu.memref_slice %arg6[%add3A_37, %dma_start3A_151] : memref<4064x256xf32, #tpu.memory_space<vmem_shared>> -> memref<64x256xf32, #tpu.memory_space<vmem_shared>>
      tpu.enqueue_dma source(%arg5 : memref<64x256xf32, #tpu.memory_space<vmem>>) target(%dma_start3A_152 : memref<64x256xf32, #tpu.memory_space<vmem_shared>>) target_semaphore(%run_scoped3A : memref<!tpu.dma_semaphore, #tpu.memory_space<semaphore_mem>>)
      %dma_wait3A_153 = arith.constant 0 : i32
      %dma_wait3A_154 = tpu.memref_slice %arg6[%add3A_37, %dma_wait3A_153] : memref<4064x256xf32, #tpu.memory_space<vmem_shared>> -> memref<64x256xf32, #tpu.memory_space<vmem_shared>>
      %dma_wait3A_155 = arith.constant 0 : i32
      %dma_wait3A_156 = tpu.memref_slice %arg6[%add3A_37, %dma_wait3A_155] : memref<4064x256xf32, #tpu.memory_space<vmem_shared>> -> memref<64x256xf32, #tpu.memory_space<vmem_shared>>
      tpu.wait_dma2 semaphore(%run_scoped3A : memref<!tpu.dma_semaphore, #tpu.memory_space<semaphore_mem>>) src(%arg5 : memref<64x256xf32, #tpu.memory_space<vmem>>) dst(%dma_wait3A_156 : memref<64x256xf32, #tpu.memory_space<vmem_shared>>)
      tpu.yield
    }) : () -> ()
    %mul3A_38 = arith.constant 4 : i32
    %mul3A_39 = arith.muli %arg0, %mul3A_38 : i32
    %add3A_40 = arith.constant 3 : i32
    %add3A_41 = arith.addi %mul3A_39, %add3A_40 : i32
    %sub3A_42 = arith.constant 447 : i32
    %sub3A_43 = arith.subi %add3A_41, %sub3A_42 : i32
    %scan3A_44 = arith.constant 0 : i32
    %scan3A_45 = arith.constant 64 : i32
    %scan3A_46 = arith.addi %scan3A_44, %scan3A_45 : i32
    %scan3A_47 = arith.constant 1 : i32
    scf.for %scan3A_149 = %scan3A_44 to %scan3A_46 step %scan3A_47  : i32 {
      %add3A_150 = arith.addi %min3A_1, %scan3A_149 : i32
      %add3A_151 = arith.addi %add3A_150, %sub3A_43 : i32
      %jit3A = arith.constant 0 : i32
      %jit3A_152 = arith.constant 128 : i32
      %max3A = arith.maxsi %jit3A, %add3A_151 : i32
      %min3A_153 = arith.minsi %jit3A_152, %max3A : i32
      %get3A = arith.index_cast %min3A_153 : i32 to index
      %get3A_154 = arith.constant 0 : index
      %get3A_155 = tpu.vector_load %arg4[%get3A, %get3A_154] {strides = array<i32>} : memref<129x256xf32, #tpu.memory_space<vmem>>, vector<1x16xf32>,
      %get3A_156 = vector.shape_cast %get3A_155 : vector<1x16xf32> to vector<16xf32>
      %swap3A = arith.index_cast %scan3A_149 : i32 to index
      %swap3A_157 = arith.constant 0 : index
      %swap3A_158 = tpu.vector_load %arg5[%swap3A, %swap3A_157] {strides = array<i32>} : memref<64x256xf32, #tpu.memory_space<vmem>>, vector<1x16xf32>,
      %swap3A_159 = vector.shape_cast %swap3A_158 : vector<1x16xf32> to vector<16xf32>
      %swap3A_160 = vector.shape_cast %get3A_156 : vector<16xf32> to vector<1x16xf32>
      tpu.vector_store %arg5[%swap3A, %swap3A_157], %swap3A_160 {strides = array<i32>} : memref<64x256xf32, #tpu.memory_space<vmem>>, vector<1x16xf32>,
      %get3A_161 = arith.index_cast %min3A_153 : i32 to index
      %get3A_162 = arith.constant 16 : index
      %get3A_163 = tpu.vector_load %arg4[%get3A_161, %get3A_162] {strides = array<i32>} : memref<129x256xf32, #tpu.memory_space<vmem>>, vector<1x16xf32>,
      %get3A_164 = vector.shape_cast %get3A_163 : vector<1x16xf32> to vector<16xf32>
      %swap3A_165 = arith.index_cast %scan3A_149 : i32 to index
      %swap3A_166 = arith.constant 16 : index
      %swap3A_167 = tpu.vector_load %arg5[%swap3A_165, %swap3A_166] {strides = array<i32>} : memref<64x256xf32, #tpu.memory_space<vmem>>, vector<1x16xf32>,
      %swap3A_168 = vector.shape_cast %swap3A_167 : vector<1x16xf32> to vector<16xf32>
      %swap3A_169 = vector.shape_cast %get3A_164 : vector<16xf32> to vector<1x16xf32>
      tpu.vector_store %arg5[%swap3A_165, %swap3A_166], %swap3A_169 {strides = array<i32>} : memref<64x256xf32, #tpu.memory_space<vmem>>, vector<1x16xf32>,
      %get3A_170 = arith.index_cast %min3A_153 : i32 to index
      %get3A_171 = arith.constant 32 : index
      %get3A_172 = tpu.vector_load %arg4[%get3A_170, %get3A_171] {strides = array<i32>} : memref<129x256xf32, #tpu.memory_space<vmem>>, vector<1x16xf32>,
      %get3A_173 = vector.shape_cast %get3A_172 : vector<1x16xf32> to vector<16xf32>
      %swap3A_174 = arith.index_cast %scan3A_149 : i32 to index
      %swap3A_175 = arith.constant 32 : index
      %swap3A_176 = tpu.vector_load %arg5[%swap3A_174, %swap3A_175] {strides = array<i32>} : memref<64x256xf32, #tpu.memory_space<vmem>>, vector<1x16xf32>,
      %swap3A_177 = vector.shape_cast %swap3A_176 : vector<1x16xf32> to vector<16xf32>
      %swap3A_178 = vector.shape_cast %get3A_173 : vector<16xf32> to vector<1x16xf32>
      tpu.vector_store %arg5[%swap3A_174, %swap3A_175], %swap3A_178 {strides = array<i32>} : memref<64x256xf32, #tpu.memory_space<vmem>>, vector<1x16xf32>,
      %get3A_179 = arith.index_cast %min3A_153 : i32 to index
      %get3A_180 = arith.constant 48 : index
      %get3A_181 = tpu.vector_load %arg4[%get3A_179, %get3A_180] {strides = array<i32>} : memref<129x256xf32, #tpu.memory_space<vmem>>, vector<1x16xf32>,
      %get3A_182 = vector.shape_cast %get3A_181 : vector<1x16xf32> to vector<16xf32>
      %swap3A_183 = arith.index_cast %scan3A_149 : i32 to index
      %swap3A_184 = arith.constant 48 : index
      %swap3A_185 = tpu.vector_load %arg5[%swap3A_183, %swap3A_184] {strides = array<i32>} : memref<64x256xf32, #tpu.memory_space<vmem>>, vector<1x16xf32>,
      %swap3A_186 = vector.shape_cast %swap3A_185 : vector<1x16xf32> to vector<16xf32>
      %swap3A_187 = vector.shape_cast %get3A_182 : vector<16xf32> to vector<1x16xf32>
      tpu.vector_store %arg5[%swap3A_183, %swap3A_184], %swap3A_187 {strides = array<i32>} : memref<64x256xf32, #tpu.memory_space<vmem>>, vector<1x16xf32>,
      %get3A_188 = arith.index_cast %min3A_153 : i32 to index
      %get3A_189 = arith.constant 64 : index
      %get3A_190 = tpu.vector_load %arg4[%get3A_188, %get3A_189] {strides = array<i32>} : memref<129x256xf32, #tpu.memory_space<vmem>>, vector<1x16xf32>,
      %get3A_191 = vector.shape_cast %get3A_190 : vector<1x16xf32> to vector<16xf32>
      %swap3A_192 = arith.index_cast %scan3A_149 : i32 to index
      %swap3A_193 = arith.constant 64 : index
      %swap3A_194 = tpu.vector_load %arg5[%swap3A_192, %swap3A_193] {strides = array<i32>} : memref<64x256xf32, #tpu.memory_space<vmem>>, vector<1x16xf32>,
      %swap3A_195 = vector.shape_cast %swap3A_194 : vector<1x16xf32> to vector<16xf32>
      %swap3A_196 = vector.shape_cast %get3A_191 : vector<16xf32> to vector<1x16xf32>
      tpu.vector_store %arg5[%swap3A_192, %swap3A_193], %swap3A_196 {strides = array<i32>} : memref<64x256xf32, #tpu.memory_space<vmem>>, vector<1x16xf32>,
      %get3A_197 = arith.index_cast %min3A_153 : i32 to index
      %get3A_198 = arith.constant 80 : index
      %get3A_199 = tpu.vector_load %arg4[%get3A_197, %get3A_198] {strides = array<i32>} : memref<129x256xf32, #tpu.memory_space<vmem>>, vector<1x16xf32>,
      %get3A_200 = vector.shape_cast %get3A_199 : vector<1x16xf32> to vector<16xf32>
      %swap3A_201 = arith.index_cast %scan3A_149 : i32 to index
      %swap3A_202 = arith.constant 80 : index
      %swap3A_203 = tpu.vector_load %arg5[%swap3A_201, %swap3A_202] {strides = array<i32>} : memref<64x256xf32, #tpu.memory_space<vmem>>, vector<1x16xf32>,
      %swap3A_204 = vector.shape_cast %swap3A_203 : vector<1x16xf32> to vector<16xf32>
      %swap3A_205 = vector.shape_cast %get3A_200 : vector<16xf32> to vector<1x16xf32>
      tpu.vector_store %arg5[%swap3A_201, %swap3A_202], %swap3A_205 {strides = array<i32>} : memref<64x256xf32, #tpu.memory_space<vmem>>, vector<1x16xf32>,
      %get3A_206 = arith.index_cast %min3A_153 : i32 to index
      %get3A_207 = arith.constant 96 : index
      %get3A_208 = tpu.vector_load %arg4[%get3A_206, %get3A_207] {strides = array<i32>} : memref<129x256xf32, #tpu.memory_space<vmem>>, vector<1x16xf32>,
      %get3A_209 = vector.shape_cast %get3A_208 : vector<1x16xf32> to vector<16xf32>
      %swap3A_210 = arith.index_cast %scan3A_149 : i32 to index
      %swap3A_211 = arith.constant 96 : index
      %swap3A_212 = tpu.vector_load %arg5[%swap3A_210, %swap3A_211] {strides = array<i32>} : memref<64x256xf32, #tpu.memory_space<vmem>>, vector<1x16xf32>,
      %swap3A_213 = vector.shape_cast %swap3A_212 : vector<1x16xf32> to vector<16xf32>
      %swap3A_214 = vector.shape_cast %get3A_209 : vector<16xf32> to vector<1x16xf32>
      tpu.vector_store %arg5[%swap3A_210, %swap3A_211], %swap3A_214 {strides = array<i32>} : memref<64x256xf32, #tpu.memory_space<vmem>>, vector<1x16xf32>,
      %get3A_215 = arith.index_cast %min3A_153 : i32 to index
      %get3A_216 = arith.constant 112 : index
      %get3A_217 = tpu.vector_load %arg4[%get3A_215, %get3A_216] {strides = array<i32>} : memref<129x256xf32, #tpu.memory_space<vmem>>, vector<1x16xf32>,
      %get3A_218 = vector.shape_cast %get3A_217 : vector<1x16xf32> to vector<16xf32>
      %swap3A_219 = arith.index_cast %scan3A_149 : i32 to index
      %swap3A_220 = arith.constant 112 : index
      %swap3A_221 = tpu.vector_load %arg5[%swap3A_219, %swap3A_220] {strides = array<i32>} : memref<64x256xf32, #tpu.memory_space<vmem>>, vector<1x16xf32>,
      %swap3A_222 = vector.shape_cast %swap3A_221 : vector<1x16xf32> to vector<16xf32>
      %swap3A_223 = vector.shape_cast %get3A_218 : vector<16xf32> to vector<1x16xf32>
      tpu.vector_store %arg5[%swap3A_219, %swap3A_220], %swap3A_223 {strides = array<i32>} : memref<64x256xf32, #tpu.memory_space<vmem>>, vector<1x16xf32>,
      %get3A_224 = arith.index_cast %min3A_153 : i32 to index
      %get3A_225 = arith.constant 128 : index
      %get3A_226 = tpu.vector_load %arg4[%get3A_224, %get3A_225] {strides = array<i32>} : memref<129x256xf32, #tpu.memory_space<vmem>>, vector<1x16xf32>,
      %get3A_227 = vector.shape_cast %get3A_226 : vector<1x16xf32> to vector<16xf32>
      %swap3A_228 = arith.index_cast %scan3A_149 : i32 to index
      %swap3A_229 = arith.constant 128 : index
      %swap3A_230 = tpu.vector_load %arg5[%swap3A_228, %swap3A_229] {strides = array<i32>} : memref<64x256xf32, #tpu.memory_space<vmem>>, vector<1x16xf32>,
      %swap3A_231 = vector.shape_cast %swap3A_230 : vector<1x16xf32> to vector<16xf32>
      %swap3A_232 = vector.shape_cast %get3A_227 : vector<16xf32> to vector<1x16xf32>
      tpu.vector_store %arg5[%swap3A_228, %swap3A_229], %swap3A_232 {strides = array<i32>} : memref<64x256xf32, #tpu.memory_space<vmem>>, vector<1x16xf32>,
      %get3A_233 = arith.index_cast %min3A_153 : i32 to index
      %get3A_234 = arith.constant 144 : index
      %get3A_235 = tpu.vector_load %arg4[%get3A_233, %get3A_234] {strides = array<i32>} : memref<129x256xf32, #tpu.memory_space<vmem>>, vector<1x16xf32>,
      %get3A_236 = vector.shape_cast %get3A_235 : vector<1x16xf32> to vector<16xf32>
      %swap3A_237 = arith.index_cast %scan3A_149 : i32 to index
      %swap3A_238 = arith.constant 144 : index
      %swap3A_239 = tpu.vector_load %arg5[%swap3A_237, %swap3A_238] {strides = array<i32>} : memref<64x256xf32, #tpu.memory_space<vmem>>, vector<1x16xf32>,
      %swap3A_240 = vector.shape_cast %swap3A_239 : vector<1x16xf32> to vector<16xf32>
      %swap3A_241 = vector.shape_cast %get3A_236 : vector<16xf32> to vector<1x16xf32>
      tpu.vector_store %arg5[%swap3A_237, %swap3A_238], %swap3A_241 {strides = array<i32>} : memref<64x256xf32, #tpu.memory_space<vmem>>, vector<1x16xf32>,
      %get3A_242 = arith.index_cast %min3A_153 : i32 to index
      %get3A_243 = arith.constant 160 : index
      %get3A_244 = tpu.vector_load %arg4[%get3A_242, %get3A_243] {strides = array<i32>} : memref<129x256xf32, #tpu.memory_space<vmem>>, vector<1x16xf32>,
      %get3A_245 = vector.shape_cast %get3A_244 : vector<1x16xf32> to vector<16xf32>
      %swap3A_246 = arith.index_cast %scan3A_149 : i32 to index
      %swap3A_247 = arith.constant 160 : index
      %swap3A_248 = tpu.vector_load %arg5[%swap3A_246, %swap3A_247] {strides = array<i32>} : memref<64x256xf32, #tpu.memory_space<vmem>>, vector<1x16xf32>,
      %swap3A_249 = vector.shape_cast %swap3A_248 : vector<1x16xf32> to vector<16xf32>
      %swap3A_250 = vector.shape_cast %get3A_245 : vector<16xf32> to vector<1x16xf32>
      tpu.vector_store %arg5[%swap3A_246, %swap3A_247], %swap3A_250 {strides = array<i32>} : memref<64x256xf32, #tpu.memory_space<vmem>>, vector<1x16xf32>,
      %get3A_251 = arith.index_cast %min3A_153 : i32 to index
      %get3A_252 = arith.constant 176 : index
      %get3A_253 = tpu.vector_load %arg4[%get3A_251, %get3A_252] {strides = array<i32>} : memref<129x256xf32, #tpu.memory_space<vmem>>, vector<1x16xf32>,
      %get3A_254 = vector.shape_cast %get3A_253 : vector<1x16xf32> to vector<16xf32>
      %swap3A_255 = arith.index_cast %scan3A_149 : i32 to index
      %swap3A_256 = arith.constant 176 : index
      %swap3A_257 = tpu.vector_load %arg5[%swap3A_255, %swap3A_256] {strides = array<i32>} : memref<64x256xf32, #tpu.memory_space<vmem>>, vector<1x16xf32>,
      %swap3A_258 = vector.shape_cast %swap3A_257 : vector<1x16xf32> to vector<16xf32>
      %swap3A_259 = vector.shape_cast %get3A_254 : vector<16xf32> to vector<1x16xf32>
      tpu.vector_store %arg5[%swap3A_255, %swap3A_256], %swap3A_259 {strides = array<i32>} : memref<64x256xf32, #tpu.memory_space<vmem>>, vector<1x16xf32>,
      %get3A_260 = arith.index_cast %min3A_153 : i32 to index
      %get3A_261 = arith.constant 192 : index
      %get3A_262 = tpu.vector_load %arg4[%get3A_260, %get3A_261] {strides = array<i32>} : memref<129x256xf32, #tpu.memory_space<vmem>>, vector<1x16xf32>,
      %get3A_263 = vector.shape_cast %get3A_262 : vector<1x16xf32> to vector<16xf32>
      %swap3A_264 = arith.index_cast %scan3A_149 : i32 to index
      %swap3A_265 = arith.constant 192 : index
      %swap3A_266 = tpu.vector_load %arg5[%swap3A_264, %swap3A_265] {strides = array<i32>} : memref<64x256xf32, #tpu.memory_space<vmem>>, vector<1x16xf32>,
      %swap3A_267 = vector.shape_cast %swap3A_266 : vector<1x16xf32> to vector<16xf32>
      %swap3A_268 = vector.shape_cast %get3A_263 : vector<16xf32> to vector<1x16xf32>
      tpu.vector_store %arg5[%swap3A_264, %swap3A_265], %swap3A_268 {strides = array<i32>} : memref<64x256xf32, #tpu.memory_space<vmem>>, vector<1x16xf32>,
      %get3A_269 = arith.index_cast %min3A_153 : i32 to index
      %get3A_270 = arith.constant 208 : index
      %get3A_271 = tpu.vector_load %arg4[%get3A_269, %get3A_270] {strides = array<i32>} : memref<129x256xf32, #tpu.memory_space<vmem>>, vector<1x16xf32>,
      %get3A_272 = vector.shape_cast %get3A_271 : vector<1x16xf32> to vector<16xf32>
      %swap3A_273 = arith.index_cast %scan3A_149 : i32 to index
      %swap3A_274 = arith.constant 208 : index
      %swap3A_275 = tpu.vector_load %arg5[%swap3A_273, %swap3A_274] {strides = array<i32>} : memref<64x256xf32, #tpu.memory_space<vmem>>, vector<1x16xf32>,
      %swap3A_276 = vector.shape_cast %swap3A_275 : vector<1x16xf32> to vector<16xf32>
      %swap3A_277 = vector.shape_cast %get3A_272 : vector<16xf32> to vector<1x16xf32>
      tpu.vector_store %arg5[%swap3A_273, %swap3A_274], %swap3A_277 {strides = array<i32>} : memref<64x256xf32, #tpu.memory_space<vmem>>, vector<1x16xf32>,
      %get3A_278 = arith.index_cast %min3A_153 : i32 to index
      %get3A_279 = arith.constant 224 : index
      %get3A_280 = tpu.vector_load %arg4[%get3A_278, %get3A_279] {strides = array<i32>} : memref<129x256xf32, #tpu.memory_space<vmem>>, vector<1x16xf32>,
      %get3A_281 = vector.shape_cast %get3A_280 : vector<1x16xf32> to vector<16xf32>
      %swap3A_282 = arith.index_cast %scan3A_149 : i32 to index
      %swap3A_283 = arith.constant 224 : index
      %swap3A_284 = tpu.vector_load %arg5[%swap3A_282, %swap3A_283] {strides = array<i32>} : memref<64x256xf32, #tpu.memory_space<vmem>>, vector<1x16xf32>,
      %swap3A_285 = vector.shape_cast %swap3A_284 : vector<1x16xf32> to vector<16xf32>
      %swap3A_286 = vector.shape_cast %get3A_281 : vector<16xf32> to vector<1x16xf32>
      tpu.vector_store %arg5[%swap3A_282, %swap3A_283], %swap3A_286 {strides = array<i32>} : memref<64x256xf32, #tpu.memory_space<vmem>>, vector<1x16xf32>,
      %get3A_287 = arith.index_cast %min3A_153 : i32 to index
      %get3A_288 = arith.constant 240 : index
      %get3A_289 = tpu.vector_load %arg4[%get3A_287, %get3A_288] {strides = array<i32>} : memref<129x256xf32, #tpu.memory_space<vmem>>, vector<1x16xf32>,
      %get3A_290 = vector.shape_cast %get3A_289 : vector<1x16xf32> to vector<16xf32>
      %swap3A_291 = arith.index_cast %scan3A_149 : i32 to index
      %swap3A_292 = arith.constant 240 : index
      %swap3A_293 = tpu.vector_load %arg5[%swap3A_291, %swap3A_292] {strides = array<i32>} : memref<64x256xf32, #tpu.memory_space<vmem>>, vector<1x16xf32>,
      %swap3A_294 = vector.shape_cast %swap3A_293 : vector<1x16xf32> to vector<16xf32>
      %swap3A_295 = vector.shape_cast %get3A_290 : vector<16xf32> to vector<1x16xf32>
      tpu.vector_store %arg5[%swap3A_291, %swap3A_292], %swap3A_295 {strides = array<i32>} : memref<64x256xf32, #tpu.memory_space<vmem>>, vector<1x16xf32>,
    }
    %scan3A_48 = arith.constant 64 : i32
    %add3A_49 = arith.constant 3048 : i32
    %add3A_50 = arith.addi %add3A_49, %min3A_1 : i32
    "tpu.region"() ({
      %run_scoped3A = tpu.sem_alloc : memref<!tpu.dma_semaphore, #tpu.memory_space<semaphore_mem>>
      %dma_start3A_149 = arith.constant 0 : i32
      %dma_start3A_150 = tpu.memref_slice %arg6[%add3A_50, %dma_start3A_149] : memref<4064x256xf32, #tpu.memory_space<vmem_shared>> -> memref<64x256xf32, #tpu.memory_space<vmem_shared>>
      %dma_start3A_151 = arith.constant 0 : i32
      %dma_start3A_152 = tpu.memref_slice %arg6[%add3A_50, %dma_start3A_151] : memref<4064x256xf32, #tpu.memory_space<vmem_shared>> -> memref<64x256xf32, #tpu.memory_space<vmem_shared>>
      tpu.enqueue_dma source(%arg5 : memref<64x256xf32, #tpu.memory_space<vmem>>) target(%dma_start3A_152 : memref<64x256xf32, #tpu.memory_space<vmem_shared>>) target_semaphore(%run_scoped3A : memref<!tpu.dma_semaphore, #tpu.memory_space<semaphore_mem>>)
      %dma_wait3A_153 = arith.constant 0 : i32
      %dma_wait3A_154 = tpu.memref_slice %arg6[%add3A_50, %dma_wait3A_153] : memref<4064x256xf32, #tpu.memory_space<vmem_shared>> -> memref<64x256xf32, #tpu.memory_space<vmem_shared>>
      %dma_wait3A_155 = arith.constant 0 : i32
      %dma_wait3A_156 = tpu.memref_slice %arg6[%add3A_50, %dma_wait3A_155] : memref<4064x256xf32, #tpu.memory_space<vmem_shared>> -> memref<64x256xf32, #tpu.memory_space<vmem_shared>>
      tpu.wait_dma2 semaphore(%run_scoped3A : memref<!tpu.dma_semaphore, #tpu.memory_space<semaphore_mem>>) src(%arg5 : memref<64x256xf32, #tpu.memory_space<vmem>>) dst(%dma_wait3A_156 : memref<64x256xf32, #tpu.memory_space<vmem_shared>>)
      tpu.yield
    }) : () -> ()
    %barrier3A = arith.constant 0 : index
    tpu.barrier barrier_id(%barrier3A)
    %mul3A_51 = arith.constant 4 : i32
    %mul3A_52 = arith.muli %arg0, %mul3A_51 : i32
    %add3A_53 = arith.constant 0 : i32
    %add3A_54 = arith.addi %mul3A_52, %add3A_53 : i32
    %sub3A_55 = arith.constant 511 : i32
    %sub3A_56 = arith.subi %sub3A_55, %add3A_54 : i32
    %mul3A_57 = arith.constant 8 : i32
    %mul3A_58 = arith.muli %mul3A_57, %arg1 : i32
    %sub3A_59 = arith.subi %sub3A_56, %mul3A_58 : i32
    %mul3A_60 = arith.constant 8 : i32
    %mul3A_61 = arith.muli %mul3A_60, %arg1 : i32
    %add3A_62 = arith.constant 0 : i32
    %add3A_63 = arith.addi %add3A_62, %mul3A_61 : i32
    %dma_start3A = arith.constant 0 : i32
    %dma_start3A_64 = arith.constant 0 : i32
    %dma_start3A_65 = tpu.memref_slice %arg3[%sub3A_59, %dma_start3A, %dma_start3A_64] : memref<512x512x256xf32, #tpu.memory_space<hbm>> -> memref<1x512x256xf32, #tpu.memory_space<hbm>>
    %dma_start3A_66 = tpu.memref_squeeze %dma_start3A_65 : memref<1x512x256xf32, #tpu.memory_space<hbm>> -> memref<512x256xf32, #tpu.memory_space<hbm>>
    %dma_start3A_67 = arith.constant 0 : i32
    %dma_start3A_68 = tpu.memref_slice %arg6[%add3A_63, %dma_start3A_67] : memref<4064x256xf32, #tpu.memory_space<vmem_shared>> -> memref<512x256xf32, #tpu.memory_space<vmem_shared>>
    tpu.enqueue_dma source(%dma_start3A_68 : memref<512x256xf32, #tpu.memory_space<vmem_shared>>) target(%dma_start3A_66 : memref<512x256xf32, #tpu.memory_space<hbm>>) target_semaphore(%arg7 : memref<!tpu.dma_semaphore, #tpu.memory_space<semaphore_mem>>)
    %mul3A_69 = arith.constant 4 : i32
    %mul3A_70 = arith.muli %arg0, %mul3A_69 : i32
    %add3A_71 = arith.constant 1 : i32
    %add3A_72 = arith.addi %mul3A_70, %add3A_71 : i32
    %sub3A_73 = arith.constant 511 : i32
    %sub3A_74 = arith.subi %sub3A_73, %add3A_72 : i32
    %mul3A_75 = arith.constant 8 : i32
    %mul3A_76 = arith.muli %mul3A_75, %arg1 : i32
    %sub3A_77 = arith.subi %sub3A_74, %mul3A_76 : i32
    %mul3A_78 = arith.constant 8 : i32
    %mul3A_79 = arith.muli %mul3A_78, %arg1 : i32
    %add3A_80 = arith.constant 1016 : i32
    %add3A_81 = arith.addi %add3A_80, %mul3A_79 : i32
    %dma_start3A_82 = arith.constant 0 : i32
    %dma_start3A_83 = arith.constant 0 : i32
    %dma_start3A_84 = tpu.memref_slice %arg3[%sub3A_77, %dma_start3A_82, %dma_start3A_83] : memref<512x512x256xf32, #tpu.memory_space<hbm>> -> memref<1x512x256xf32, #tpu.memory_space<hbm>>
    %dma_start3A_85 = tpu.memref_squeeze %dma_start3A_84 : memref<1x512x256xf32, #tpu.memory_space<hbm>> -> memref<512x256xf32, #tpu.memory_space<hbm>>
    %dma_start3A_86 = arith.constant 0 : i32
    %dma_start3A_87 = tpu.memref_slice %arg6[%add3A_81, %dma_start3A_86] : memref<4064x256xf32, #tpu.memory_space<vmem_shared>> -> memref<512x256xf32, #tpu.memory_space<vmem_shared>>
    tpu.enqueue_dma source(%dma_start3A_87 : memref<512x256xf32, #tpu.memory_space<vmem_shared>>) target(%dma_start3A_85 : memref<512x256xf32, #tpu.memory_space<hbm>>) target_semaphore(%arg7 : memref<!tpu.dma_semaphore, #tpu.memory_space<semaphore_mem>>)
    %mul3A_88 = arith.constant 4 : i32
    %mul3A_89 = arith.muli %arg0, %mul3A_88 : i32
    %add3A_90 = arith.constant 2 : i32
    %add3A_91 = arith.addi %mul3A_89, %add3A_90 : i32
    %sub3A_92 = arith.constant 511 : i32
    %sub3A_93 = arith.subi %sub3A_92, %add3A_91 : i32
    %mul3A_94 = arith.constant 8 : i32
    %mul3A_95 = arith.muli %mul3A_94, %arg1 : i32
    %sub3A_96 = arith.subi %sub3A_93, %mul3A_95 : i32
    %mul3A_97 = arith.constant 8 : i32
    %mul3A_98 = arith.muli %mul3A_97, %arg1 : i32
    %add3A_99 = arith.constant 2032 : i32
    %add3A_100 = arith.addi %add3A_99, %mul3A_98 : i32
    %dma_start3A_101 = arith.constant 0 : i32
    %dma_start3A_102 = arith.constant 0 : i32
    %dma_start3A_103 = tpu.memref_slice %arg3[%sub3A_96, %dma_start3A_101, %dma_start3A_102] : memref<512x512x256xf32, #tpu.memory_space<hbm>> -> memref<1x512x256xf32, #tpu.memory_space<hbm>>
    %dma_start3A_104 = tpu.memref_squeeze %dma_start3A_103 : memref<1x512x256xf32, #tpu.memory_space<hbm>> -> memref<512x256xf32, #tpu.memory_space<hbm>>
    %dma_start3A_105 = arith.constant 0 : i32
    %dma_start3A_106 = tpu.memref_slice %arg6[%add3A_100, %dma_start3A_105] : memref<4064x256xf32, #tpu.memory_space<vmem_shared>> -> memref<512x256xf32, #tpu.memory_space<vmem_shared>>
    tpu.enqueue_dma source(%dma_start3A_106 : memref<512x256xf32, #tpu.memory_space<vmem_shared>>) target(%dma_start3A_104 : memref<512x256xf32, #tpu.memory_space<hbm>>) target_semaphore(%arg7 : memref<!tpu.dma_semaphore, #tpu.memory_space<semaphore_mem>>)
    %mul3A_107 = arith.constant 4 : i32
    %mul3A_108 = arith.muli %arg0, %mul3A_107 : i32
    %add3A_109 = arith.constant 3 : i32
    %add3A_110 = arith.addi %mul3A_108, %add3A_109 : i32
    %sub3A_111 = arith.constant 511 : i32
    %sub3A_112 = arith.subi %sub3A_111, %add3A_110 : i32
    %mul3A_113 = arith.constant 8 : i32
    %mul3A_114 = arith.muli %mul3A_113, %arg1 : i32
    %sub3A_115 = arith.subi %sub3A_112, %mul3A_114 : i32
    %mul3A_116 = arith.constant 8 : i32
    %mul3A_117 = arith.muli %mul3A_116, %arg1 : i32
    %add3A_118 = arith.constant 3048 : i32
    %add3A_119 = arith.addi %add3A_118, %mul3A_117 : i32
    %dma_start3A_120 = arith.constant 0 : i32
    %dma_start3A_121 = arith.constant 0 : i32
    %dma_start3A_122 = tpu.memref_slice %arg3[%sub3A_115, %dma_start3A_120, %dma_start3A_121] : memref<512x512x256xf32, #tpu.memory_space<hbm>> -> memref<1x512x256xf32, #tpu.memory_space<hbm>>
    %dma_start3A_123 = tpu.memref_squeeze %dma_start3A_122 : memref<1x512x256xf32, #tpu.memory_space<hbm>> -> memref<512x256xf32, #tpu.memory_space<hbm>>
    %dma_start3A_124 = arith.constant 0 : i32
    %dma_start3A_125 = tpu.memref_slice %arg6[%add3A_119, %dma_start3A_124] : memref<4064x256xf32, #tpu.memory_space<vmem_shared>> -> memref<512x256xf32, #tpu.memory_space<vmem_shared>>
    tpu.enqueue_dma source(%dma_start3A_125 : memref<512x256xf32, #tpu.memory_space<vmem_shared>>) target(%dma_start3A_123 : memref<512x256xf32, #tpu.memory_space<hbm>>) target_semaphore(%arg7 : memref<!tpu.dma_semaphore, #tpu.memory_space<semaphore_mem>>)
    %dma_wait3A = arith.constant 0 : i32
    %dma_wait3A_126 = arith.constant 0 : i32
    %dma_wait3A_127 = tpu.memref_slice %arg3[%sub3A_59, %dma_wait3A, %dma_wait3A_126] : memref<512x512x256xf32, #tpu.memory_space<hbm>> -> memref<1x512x256xf32, #tpu.memory_space<hbm>>
    %dma_wait3A_128 = tpu.memref_squeeze %dma_wait3A_127 : memref<1x512x256xf32, #tpu.memory_space<hbm>> -> memref<512x256xf32, #tpu.memory_space<hbm>>
    %dma_wait3A_129 = arith.constant 0 : i32
    %dma_wait3A_130 = tpu.memref_slice %arg6[%add3A_63, %dma_wait3A_129] : memref<4064x256xf32, #tpu.memory_space<vmem_shared>> -> memref<512x256xf32, #tpu.memory_space<vmem_shared>>
    tpu.wait_dma2 semaphore(%arg7 : memref<!tpu.dma_semaphore, #tpu.memory_space<semaphore_mem>>) src(%dma_wait3A_130 : memref<512x256xf32, #tpu.memory_space<vmem_shared>>) dst(%dma_wait3A_128 : memref<512x256xf32, #tpu.memory_space<hbm>>)
    %dma_wait3A_131 = arith.constant 0 : i32
    %dma_wait3A_132 = arith.constant 0 : i32
    %dma_wait3A_133 = tpu.memref_slice %arg3[%sub3A_77, %dma_wait3A_131, %dma_wait3A_132] : memref<512x512x256xf32, #tpu.memory_space<hbm>> -> memref<1x512x256xf32, #tpu.memory_space<hbm>>
    %dma_wait3A_134 = tpu.memref_squeeze %dma_wait3A_133 : memref<1x512x256xf32, #tpu.memory_space<hbm>> -> memref<512x256xf32, #tpu.memory_space<hbm>>
    %dma_wait3A_135 = arith.constant 0 : i32
    %dma_wait3A_136 = tpu.memref_slice %arg6[%add3A_81, %dma_wait3A_135] : memref<4064x256xf32, #tpu.memory_space<vmem_shared>> -> memref<512x256xf32, #tpu.memory_space<vmem_shared>>
    tpu.wait_dma2 semaphore(%arg7 : memref<!tpu.dma_semaphore, #tpu.memory_space<semaphore_mem>>) src(%dma_wait3A_136 : memref<512x256xf32, #tpu.memory_space<vmem_shared>>) dst(%dma_wait3A_134 : memref<512x256xf32, #tpu.memory_space<hbm>>)
    %dma_wait3A_137 = arith.constant 0 : i32
    %dma_wait3A_138 = arith.constant 0 : i32
    %dma_wait3A_139 = tpu.memref_slice %arg3[%sub3A_96, %dma_wait3A_137, %dma_wait3A_138] : memref<512x512x256xf32, #tpu.memory_space<hbm>> -> memref<1x512x256xf32, #tpu.memory_space<hbm>>
    %dma_wait3A_140 = tpu.memref_squeeze %dma_wait3A_139 : memref<1x512x256xf32, #tpu.memory_space<hbm>> -> memref<512x256xf32, #tpu.memory_space<hbm>>
    %dma_wait3A_141 = arith.constant 0 : i32
    %dma_wait3A_142 = tpu.memref_slice %arg6[%add3A_100, %dma_wait3A_141] : memref<4064x256xf32, #tpu.memory_space<vmem_shared>> -> memref<512x256xf32, #tpu.memory_space<vmem_shared>>
    tpu.wait_dma2 semaphore(%arg7 : memref<!tpu.dma_semaphore, #tpu.memory_space<semaphore_mem>>) src(%dma_wait3A_142 : memref<512x256xf32, #tpu.memory_space<vmem_shared>>) dst(%dma_wait3A_140 : memref<512x256xf32, #tpu.memory_space<hbm>>)
    %dma_wait3A_143 = arith.constant 0 : i32
    %dma_wait3A_144 = arith.constant 0 : i32
    %dma_wait3A_145 = tpu.memref_slice %arg3[%sub3A_115, %dma_wait3A_143, %dma_wait3A_144] : memref<512x512x256xf32, #tpu.memory_space<hbm>> -> memref<1x512x256xf32, #tpu.memory_space<hbm>>
    %dma_wait3A_146 = tpu.memref_squeeze %dma_wait3A_145 : memref<1x512x256xf32, #tpu.memory_space<hbm>> -> memref<512x256xf32, #tpu.memory_space<hbm>>
    %dma_wait3A_147 = arith.constant 0 : i32
    %dma_wait3A_148 = tpu.memref_slice %arg6[%add3A_119, %dma_wait3A_147] : memref<4064x256xf32, #tpu.memory_space<vmem_shared>> -> memref<512x256xf32, #tpu.memory_space<vmem_shared>>
    tpu.wait_dma2 semaphore(%arg7 : memref<!tpu.dma_semaphore, #tpu.memory_space<semaphore_mem>>) src(%dma_wait3A_148 : memref<512x256xf32, #tpu.memory_space<vmem_shared>>) dst(%dma_wait3A_146 : memref<512x256xf32, #tpu.memory_space<hbm>>)
    return
  }
}

module attributes {stable_mosaic.version = 14 : i64} {
  func.func @_rel_pos_tc_tail_body(%arg0: i32, %arg1: memref<129x256xf32, #tpu.memory_space<vmem>>, %arg2: memref<512x512x256xf32, #tpu.memory_space<any>>, %arg3: memref<8x512x256xf32, #tpu.memory_space<vmem>>, %arg4: memref<8x1016x256xf32, #tpu.memory_space<vmem>>) attributes {dimension_semantics = [#tpu.dimension_semantics<arbitrary>], iteration_bounds = array<i64: 48>, scalar_prefetch = 0 : i64, scratch_operands = 1 : i64, tpu.core_type = #tpu.core_type<tc>, window_params = [{pipeline_mode = #tpu.pipeline_mode<synchronous>, transform_indices = @transform_0, window_bounds = array<i64: 129, 256>}, {}, {transform_indices = @transform_2, window_bounds = array<i64: 8, 512, 256>}]} {
    %eq3A = arith.constant 0 : i32
    %eq3A_0 = arith.cmpi eq, %arg0, %eq3A : i32
    %convert_element_type3A = arith.extui %eq3A_0 : i1 to i32
    %cond3A = arith.constant 0 : i32
    %cond3A_1 = arith.cmpi ne, %convert_element_type3A, %cond3A : i32
    scf.if %cond3A_1 {
      %get3A_125 = arith.constant 0 : index
      %get3A_126 = arith.constant 0 : index
      %get3A_127 = vector.load %arg1[%get3A_125, %get3A_126] : memref<129x256xf32, #tpu.memory_space<vmem>>, vector<1x256xf32>
      %broadcast_in_dim3A = vector.shape_cast %get3A_127 : vector<1x256xf32> to vector<1x256xf32>
      %broadcast_in_dim3A_128 = vector.broadcast %broadcast_in_dim3A : vector<1x256xf32> to vector<447x256xf32>
      %swap3A_129 = arith.constant 0 : index
      %swap3A_130 = arith.constant 0 : index
      %swap3A_131 = arith.constant 0 : index
      %swap3A_132 = vector.load %arg4[%swap3A_129, %swap3A_130, %swap3A_131] : memref<8x1016x256xf32, #tpu.memory_space<vmem>>, vector<1x447x256xf32>
      %swap3A_133 = vector.shape_cast %swap3A_132 : vector<1x447x256xf32> to vector<447x256xf32>
      %swap3A_134 = vector.shape_cast %broadcast_in_dim3A_128 : vector<447x256xf32> to vector<1x447x256xf32>
      tpu.vector_store %arg4[%swap3A_129, %swap3A_130, %swap3A_131], %swap3A_134 {strides = array<i32>} : memref<8x1016x256xf32, #tpu.memory_space<vmem>>, vector<1x447x256xf32>,
      %get3A_135 = arith.constant 0 : index
      %get3A_136 = arith.constant 0 : index
      %get3A_137 = vector.load %arg1[%get3A_135, %get3A_136] : memref<129x256xf32, #tpu.memory_space<vmem>>, vector<129x256xf32>
      %swap3A_138 = arith.constant 0 : index
      %swap3A_139 = arith.constant 447 : index
      %swap3A_140 = arith.constant 0 : index
      %swap3A_141 = vector.load %arg4[%swap3A_138, %swap3A_139, %swap3A_140] : memref<8x1016x256xf32, #tpu.memory_space<vmem>>, vector<1x129x256xf32>
      %swap3A_142 = vector.shape_cast %swap3A_141 : vector<1x129x256xf32> to vector<129x256xf32>
      %swap3A_143 = vector.shape_cast %get3A_137 : vector<129x256xf32> to vector<1x129x256xf32>
      tpu.vector_store %arg4[%swap3A_138, %swap3A_139, %swap3A_140], %swap3A_143 {strides = array<i32>} : memref<8x1016x256xf32, #tpu.memory_space<vmem>>, vector<1x129x256xf32>,
      %get3A_144 = arith.constant 128 : index
      %get3A_145 = arith.constant 0 : index
      %get3A_146 = vector.load %arg1[%get3A_144, %get3A_145] : memref<129x256xf32, #tpu.memory_space<vmem>>, vector<1x256xf32>
      %broadcast_in_dim3A_147 = vector.shape_cast %get3A_146 : vector<1x256xf32> to vector<1x256xf32>
      %broadcast_in_dim3A_148 = vector.broadcast %broadcast_in_dim3A_147 : vector<1x256xf32> to vector<440x256xf32>
      %swap3A_149 = arith.constant 0 : index
      %swap3A_150 = arith.constant 576 : index
      %swap3A_151 = arith.constant 0 : index
      %swap3A_152 = vector.load %arg4[%swap3A_149, %swap3A_150, %swap3A_151] : memref<8x1016x256xf32, #tpu.memory_space<vmem>>, vector<1x440x256xf32>
      %swap3A_153 = vector.shape_cast %swap3A_152 : vector<1x440x256xf32> to vector<440x256xf32>
      %swap3A_154 = vector.shape_cast %broadcast_in_dim3A_148 : vector<440x256xf32> to vector<1x440x256xf32>
      tpu.vector_store %arg4[%swap3A_149, %swap3A_150, %swap3A_151], %swap3A_154 {strides = array<i32>} : memref<8x1016x256xf32, #tpu.memory_space<vmem>>, vector<1x440x256xf32>,
      %get3A_155 = arith.constant 0 : index
      %get3A_156 = arith.constant 0 : index
      %get3A_157 = vector.load %arg1[%get3A_155, %get3A_156] : memref<129x256xf32, #tpu.memory_space<vmem>>, vector<1x256xf32>
      %broadcast_in_dim3A_158 = vector.shape_cast %get3A_157 : vector<1x256xf32> to vector<1x256xf32>
      %broadcast_in_dim3A_159 = vector.broadcast %broadcast_in_dim3A_158 : vector<1x256xf32> to vector<446x256xf32>
      %swap3A_160 = arith.constant 1 : index
      %swap3A_161 = arith.constant 0 : index
      %swap3A_162 = arith.constant 0 : index
      %swap3A_163 = vector.load %arg4[%swap3A_160, %swap3A_161, %swap3A_162] : memref<8x1016x256xf32, #tpu.memory_space<vmem>>, vector<1x446x256xf32>
      %swap3A_164 = vector.shape_cast %swap3A_163 : vector<1x446x256xf32> to vector<446x256xf32>
      %swap3A_165 = vector.shape_cast %broadcast_in_dim3A_159 : vector<446x256xf32> to vector<1x446x256xf32>
      tpu.vector_store %arg4[%swap3A_160, %swap3A_161, %swap3A_162], %swap3A_165 {strides = array<i32>} : memref<8x1016x256xf32, #tpu.memory_space<vmem>>, vector<1x446x256xf32>,
      %get3A_166 = arith.constant 0 : index
      %get3A_167 = arith.constant 0 : index
      %get3A_168 = vector.load %arg1[%get3A_166, %get3A_167] : memref<129x256xf32, #tpu.memory_space<vmem>>, vector<129x256xf32>
      %swap3A_169 = arith.constant 1 : index
      %swap3A_170 = arith.constant 446 : index
      %swap3A_171 = arith.constant 0 : index
      %swap3A_172 = vector.load %arg4[%swap3A_169, %swap3A_170, %swap3A_171] : memref<8x1016x256xf32, #tpu.memory_space<vmem>>, vector<1x129x256xf32>
      %swap3A_173 = vector.shape_cast %swap3A_172 : vector<1x129x256xf32> to vector<129x256xf32>
      %swap3A_174 = vector.shape_cast %get3A_168 : vector<129x256xf32> to vector<1x129x256xf32>
      tpu.vector_store %arg4[%swap3A_169, %swap3A_170, %swap3A_171], %swap3A_174 {strides = array<i32>} : memref<8x1016x256xf32, #tpu.memory_space<vmem>>, vector<1x129x256xf32>,
      %get3A_175 = arith.constant 128 : index
      %get3A_176 = arith.constant 0 : index
      %get3A_177 = vector.load %arg1[%get3A_175, %get3A_176] : memref<129x256xf32, #tpu.memory_space<vmem>>, vector<1x256xf32>
      %broadcast_in_dim3A_178 = vector.shape_cast %get3A_177 : vector<1x256xf32> to vector<1x256xf32>
      %broadcast_in_dim3A_179 = vector.broadcast %broadcast_in_dim3A_178 : vector<1x256xf32> to vector<441x256xf32>
      %swap3A_180 = arith.constant 1 : index
      %swap3A_181 = arith.constant 575 : index
      %swap3A_182 = arith.constant 0 : index
      %swap3A_183 = vector.load %arg4[%swap3A_180, %swap3A_181, %swap3A_182] : memref<8x1016x256xf32, #tpu.memory_space<vmem>>, vector<1x441x256xf32>
      %swap3A_184 = vector.shape_cast %swap3A_183 : vector<1x441x256xf32> to vector<441x256xf32>
      %swap3A_185 = vector.shape_cast %broadcast_in_dim3A_179 : vector<441x256xf32> to vector<1x441x256xf32>
      tpu.vector_store %arg4[%swap3A_180, %swap3A_181, %swap3A_182], %swap3A_185 {strides = array<i32>} : memref<8x1016x256xf32, #tpu.memory_space<vmem>>, vector<1x441x256xf32>,
      %get3A_186 = arith.constant 0 : index
      %get3A_187 = arith.constant 0 : index
      %get3A_188 = vector.load %arg1[%get3A_186, %get3A_187] : memref<129x256xf32, #tpu.memory_space<vmem>>, vector<1x256xf32>
      %broadcast_in_dim3A_189 = vector.shape_cast %get3A_188 : vector<1x256xf32> to vector<1x256xf32>
      %broadcast_in_dim3A_190 = vector.broadcast %broadcast_in_dim3A_189 : vector<1x256xf32> to vector<445x256xf32>
      %swap3A_191 = arith.constant 2 : index
      %swap3A_192 = arith.constant 0 : index
      %swap3A_193 = arith.constant 0 : index
      %swap3A_194 = vector.load %arg4[%swap3A_191, %swap3A_192, %swap3A_193] : memref<8x1016x256xf32, #tpu.memory_space<vmem>>, vector<1x445x256xf32>
      %swap3A_195 = vector.shape_cast %swap3A_194 : vector<1x445x256xf32> to vector<445x256xf32>
      %swap3A_196 = vector.shape_cast %broadcast_in_dim3A_190 : vector<445x256xf32> to vector<1x445x256xf32>
      tpu.vector_store %arg4[%swap3A_191, %swap3A_192, %swap3A_193], %swap3A_196 {strides = array<i32>} : memref<8x1016x256xf32, #tpu.memory_space<vmem>>, vector<1x445x256xf32>,
      %get3A_197 = arith.constant 0 : index
      %get3A_198 = arith.constant 0 : index
      %get3A_199 = vector.load %arg1[%get3A_197, %get3A_198] : memref<129x256xf32, #tpu.memory_space<vmem>>, vector<129x256xf32>
      %swap3A_200 = arith.constant 2 : index
      %swap3A_201 = arith.constant 445 : index
      %swap3A_202 = arith.constant 0 : index
      %swap3A_203 = vector.load %arg4[%swap3A_200, %swap3A_201, %swap3A_202] : memref<8x1016x256xf32, #tpu.memory_space<vmem>>, vector<1x129x256xf32>
      %swap3A_204 = vector.shape_cast %swap3A_203 : vector<1x129x256xf32> to vector<129x256xf32>
      %swap3A_205 = vector.shape_cast %get3A_199 : vector<129x256xf32> to vector<1x129x256xf32>
      tpu.vector_store %arg4[%swap3A_200, %swap3A_201, %swap3A_202], %swap3A_205 {strides = array<i32>} : memref<8x1016x256xf32, #tpu.memory_space<vmem>>, vector<1x129x256xf32>,
      %get3A_206 = arith.constant 128 : index
      %get3A_207 = arith.constant 0 : index
      %get3A_208 = vector.load %arg1[%get3A_206, %get3A_207] : memref<129x256xf32, #tpu.memory_space<vmem>>, vector<1x256xf32>
      %broadcast_in_dim3A_209 = vector.shape_cast %get3A_208 : vector<1x256xf32> to vector<1x256xf32>
      %broadcast_in_dim3A_210 = vector.broadcast %broadcast_in_dim3A_209 : vector<1x256xf32> to vector<442x256xf32>
      %swap3A_211 = arith.constant 2 : index
      %swap3A_212 = arith.constant 574 : index
      %swap3A_213 = arith.constant 0 : index
      %swap3A_214 = vector.load %arg4[%swap3A_211, %swap3A_212, %swap3A_213] : memref<8x1016x256xf32, #tpu.memory_space<vmem>>, vector<1x442x256xf32>
      %swap3A_215 = vector.shape_cast %swap3A_214 : vector<1x442x256xf32> to vector<442x256xf32>
      %swap3A_216 = vector.shape_cast %broadcast_in_dim3A_210 : vector<442x256xf32> to vector<1x442x256xf32>
      tpu.vector_store %arg4[%swap3A_211, %swap3A_212, %swap3A_213], %swap3A_216 {strides = array<i32>} : memref<8x1016x256xf32, #tpu.memory_space<vmem>>, vector<1x442x256xf32>,
      %get3A_217 = arith.constant 0 : index
      %get3A_218 = arith.constant 0 : index
      %get3A_219 = vector.load %arg1[%get3A_217, %get3A_218] : memref<129x256xf32, #tpu.memory_space<vmem>>, vector<1x256xf32>
      %broadcast_in_dim3A_220 = vector.shape_cast %get3A_219 : vector<1x256xf32> to vector<1x256xf32>
      %broadcast_in_dim3A_221 = vector.broadcast %broadcast_in_dim3A_220 : vector<1x256xf32> to vector<444x256xf32>
      %swap3A_222 = arith.constant 3 : index
      %swap3A_223 = arith.constant 0 : index
      %swap3A_224 = arith.constant 0 : index
      %swap3A_225 = vector.load %arg4[%swap3A_222, %swap3A_223, %swap3A_224] : memref<8x1016x256xf32, #tpu.memory_space<vmem>>, vector<1x444x256xf32>
      %swap3A_226 = vector.shape_cast %swap3A_225 : vector<1x444x256xf32> to vector<444x256xf32>
      %swap3A_227 = vector.shape_cast %broadcast_in_dim3A_221 : vector<444x256xf32> to vector<1x444x256xf32>
      tpu.vector_store %arg4[%swap3A_222, %swap3A_223, %swap3A_224], %swap3A_227 {strides = array<i32>} : memref<8x1016x256xf32, #tpu.memory_space<vmem>>, vector<1x444x256xf32>,
      %get3A_228 = arith.constant 0 : index
      %get3A_229 = arith.constant 0 : index
      %get3A_230 = vector.load %arg1[%get3A_228, %get3A_229] : memref<129x256xf32, #tpu.memory_space<vmem>>, vector<129x256xf32>
      %swap3A_231 = arith.constant 3 : index
      %swap3A_232 = arith.constant 444 : index
      %swap3A_233 = arith.constant 0 : index
      %swap3A_234 = vector.load %arg4[%swap3A_231, %swap3A_232, %swap3A_233] : memref<8x1016x256xf32, #tpu.memory_space<vmem>>, vector<1x129x256xf32>
      %swap3A_235 = vector.shape_cast %swap3A_234 : vector<1x129x256xf32> to vector<129x256xf32>
      %swap3A_236 = vector.shape_cast %get3A_230 : vector<129x256xf32> to vector<1x129x256xf32>
      tpu.vector_store %arg4[%swap3A_231, %swap3A_232, %swap3A_233], %swap3A_236 {strides = array<i32>} : memref<8x1016x256xf32, #tpu.memory_space<vmem>>, vector<1x129x256xf32>,
      %get3A_237 = arith.constant 128 : index
      %get3A_238 = arith.constant 0 : index
      %get3A_239 = vector.load %arg1[%get3A_237, %get3A_238] : memref<129x256xf32, #tpu.memory_space<vmem>>, vector<1x256xf32>
      %broadcast_in_dim3A_240 = vector.shape_cast %get3A_239 : vector<1x256xf32> to vector<1x256xf32>
      %broadcast_in_dim3A_241 = vector.broadcast %broadcast_in_dim3A_240 : vector<1x256xf32> to vector<443x256xf32>
      %swap3A_242 = arith.constant 3 : index
      %swap3A_243 = arith.constant 573 : index
      %swap3A_244 = arith.constant 0 : index
      %swap3A_245 = vector.load %arg4[%swap3A_242, %swap3A_243, %swap3A_244] : memref<8x1016x256xf32, #tpu.memory_space<vmem>>, vector<1x443x256xf32>
      %swap3A_246 = vector.shape_cast %swap3A_245 : vector<1x443x256xf32> to vector<443x256xf32>
      %swap3A_247 = vector.shape_cast %broadcast_in_dim3A_241 : vector<443x256xf32> to vector<1x443x256xf32>
      tpu.vector_store %arg4[%swap3A_242, %swap3A_243, %swap3A_244], %swap3A_247 {strides = array<i32>} : memref<8x1016x256xf32, #tpu.memory_space<vmem>>, vector<1x443x256xf32>,
      %get3A_248 = arith.constant 0 : index
      %get3A_249 = arith.constant 0 : index
      %get3A_250 = vector.load %arg1[%get3A_248, %get3A_249] : memref<129x256xf32, #tpu.memory_space<vmem>>, vector<1x256xf32>
      %broadcast_in_dim3A_251 = vector.shape_cast %get3A_250 : vector<1x256xf32> to vector<1x256xf32>
      %broadcast_in_dim3A_252 = vector.broadcast %broadcast_in_dim3A_251 : vector<1x256xf32> to vector<443x256xf32>
      %swap3A_253 = arith.constant 4 : index
      %swap3A_254 = arith.constant 0 : index
      %swap3A_255 = arith.constant 0 : index
      %swap3A_256 = vector.load %arg4[%swap3A_253, %swap3A_254, %swap3A_255] : memref<8x1016x256xf32, #tpu.memory_space<vmem>>, vector<1x443x256xf32>
      %swap3A_257 = vector.shape_cast %swap3A_256 : vector<1x443x256xf32> to vector<443x256xf32>
      %swap3A_258 = vector.shape_cast %broadcast_in_dim3A_252 : vector<443x256xf32> to vector<1x443x256xf32>
      tpu.vector_store %arg4[%swap3A_253, %swap3A_254, %swap3A_255], %swap3A_258 {strides = array<i32>} : memref<8x1016x256xf32, #tpu.memory_space<vmem>>, vector<1x443x256xf32>,
      %get3A_259 = arith.constant 0 : index
      %get3A_260 = arith.constant 0 : index
      %get3A_261 = vector.load %arg1[%get3A_259, %get3A_260] : memref<129x256xf32, #tpu.memory_space<vmem>>, vector<129x256xf32>
      %swap3A_262 = arith.constant 4 : index
      %swap3A_263 = arith.constant 443 : index
      %swap3A_264 = arith.constant 0 : index
      %swap3A_265 = vector.load %arg4[%swap3A_262, %swap3A_263, %swap3A_264] : memref<8x1016x256xf32, #tpu.memory_space<vmem>>, vector<1x129x256xf32>
      %swap3A_266 = vector.shape_cast %swap3A_265 : vector<1x129x256xf32> to vector<129x256xf32>
      %swap3A_267 = vector.shape_cast %get3A_261 : vector<129x256xf32> to vector<1x129x256xf32>
      tpu.vector_store %arg4[%swap3A_262, %swap3A_263, %swap3A_264], %swap3A_267 {strides = array<i32>} : memref<8x1016x256xf32, #tpu.memory_space<vmem>>, vector<1x129x256xf32>,
      %get3A_268 = arith.constant 128 : index
      %get3A_269 = arith.constant 0 : index
      %get3A_270 = vector.load %arg1[%get3A_268, %get3A_269] : memref<129x256xf32, #tpu.memory_space<vmem>>, vector<1x256xf32>
      %broadcast_in_dim3A_271 = vector.shape_cast %get3A_270 : vector<1x256xf32> to vector<1x256xf32>
      %broadcast_in_dim3A_272 = vector.broadcast %broadcast_in_dim3A_271 : vector<1x256xf32> to vector<444x256xf32>
      %swap3A_273 = arith.constant 4 : index
      %swap3A_274 = arith.constant 572 : index
      %swap3A_275 = arith.constant 0 : index
      %swap3A_276 = vector.load %arg4[%swap3A_273, %swap3A_274, %swap3A_275] : memref<8x1016x256xf32, #tpu.memory_space<vmem>>, vector<1x444x256xf32>
      %swap3A_277 = vector.shape_cast %swap3A_276 : vector<1x444x256xf32> to vector<444x256xf32>
      %swap3A_278 = vector.shape_cast %broadcast_in_dim3A_272 : vector<444x256xf32> to vector<1x444x256xf32>
      tpu.vector_store %arg4[%swap3A_273, %swap3A_274, %swap3A_275], %swap3A_278 {strides = array<i32>} : memref<8x1016x256xf32, #tpu.memory_space<vmem>>, vector<1x444x256xf32>,
      %get3A_279 = arith.constant 0 : index
      %get3A_280 = arith.constant 0 : index
      %get3A_281 = vector.load %arg1[%get3A_279, %get3A_280] : memref<129x256xf32, #tpu.memory_space<vmem>>, vector<1x256xf32>
      %broadcast_in_dim3A_282 = vector.shape_cast %get3A_281 : vector<1x256xf32> to vector<1x256xf32>
      %broadcast_in_dim3A_283 = vector.broadcast %broadcast_in_dim3A_282 : vector<1x256xf32> to vector<442x256xf32>
      %swap3A_284 = arith.constant 5 : index
      %swap3A_285 = arith.constant 0 : index
      %swap3A_286 = arith.constant 0 : index
      %swap3A_287 = vector.load %arg4[%swap3A_284, %swap3A_285, %swap3A_286] : memref<8x1016x256xf32, #tpu.memory_space<vmem>>, vector<1x442x256xf32>
      %swap3A_288 = vector.shape_cast %swap3A_287 : vector<1x442x256xf32> to vector<442x256xf32>
      %swap3A_289 = vector.shape_cast %broadcast_in_dim3A_283 : vector<442x256xf32> to vector<1x442x256xf32>
      tpu.vector_store %arg4[%swap3A_284, %swap3A_285, %swap3A_286], %swap3A_289 {strides = array<i32>} : memref<8x1016x256xf32, #tpu.memory_space<vmem>>, vector<1x442x256xf32>,
      %get3A_290 = arith.constant 0 : index
      %get3A_291 = arith.constant 0 : index
      %get3A_292 = vector.load %arg1[%get3A_290, %get3A_291] : memref<129x256xf32, #tpu.memory_space<vmem>>, vector<129x256xf32>
      %swap3A_293 = arith.constant 5 : index
      %swap3A_294 = arith.constant 442 : index
      %swap3A_295 = arith.constant 0 : index
      %swap3A_296 = vector.load %arg4[%swap3A_293, %swap3A_294, %swap3A_295] : memref<8x1016x256xf32, #tpu.memory_space<vmem>>, vector<1x129x256xf32>
      %swap3A_297 = vector.shape_cast %swap3A_296 : vector<1x129x256xf32> to vector<129x256xf32>
      %swap3A_298 = vector.shape_cast %get3A_292 : vector<129x256xf32> to vector<1x129x256xf32>
      tpu.vector_store %arg4[%swap3A_293, %swap3A_294, %swap3A_295], %swap3A_298 {strides = array<i32>} : memref<8x1016x256xf32, #tpu.memory_space<vmem>>, vector<1x129x256xf32>,
      %get3A_299 = arith.constant 128 : index
      %get3A_300 = arith.constant 0 : index
      %get3A_301 = vector.load %arg1[%get3A_299, %get3A_300] : memref<129x256xf32, #tpu.memory_space<vmem>>, vector<1x256xf32>
      %broadcast_in_dim3A_302 = vector.shape_cast %get3A_301 : vector<1x256xf32> to vector<1x256xf32>
      %broadcast_in_dim3A_303 = vector.broadcast %broadcast_in_dim3A_302 : vector<1x256xf32> to vector<445x256xf32>
      %swap3A_304 = arith.constant 5 : index
      %swap3A_305 = arith.constant 571 : index
      %swap3A_306 = arith.constant 0 : index
      %swap3A_307 = vector.load %arg4[%swap3A_304, %swap3A_305, %swap3A_306] : memref<8x1016x256xf32, #tpu.memory_space<vmem>>, vector<1x445x256xf32>
      %swap3A_308 = vector.shape_cast %swap3A_307 : vector<1x445x256xf32> to vector<445x256xf32>
      %swap3A_309 = vector.shape_cast %broadcast_in_dim3A_303 : vector<445x256xf32> to vector<1x445x256xf32>
      tpu.vector_store %arg4[%swap3A_304, %swap3A_305, %swap3A_306], %swap3A_309 {strides = array<i32>} : memref<8x1016x256xf32, #tpu.memory_space<vmem>>, vector<1x445x256xf32>,
      %get3A_310 = arith.constant 0 : index
      %get3A_311 = arith.constant 0 : index
      %get3A_312 = vector.load %arg1[%get3A_310, %get3A_311] : memref<129x256xf32, #tpu.memory_space<vmem>>, vector<1x256xf32>
      %broadcast_in_dim3A_313 = vector.shape_cast %get3A_312 : vector<1x256xf32> to vector<1x256xf32>
      %broadcast_in_dim3A_314 = vector.broadcast %broadcast_in_dim3A_313 : vector<1x256xf32> to vector<441x256xf32>
      %swap3A_315 = arith.constant 6 : index
      %swap3A_316 = arith.constant 0 : index
      %swap3A_317 = arith.constant 0 : index
      %swap3A_318 = vector.load %arg4[%swap3A_315, %swap3A_316, %swap3A_317] : memref<8x1016x256xf32, #tpu.memory_space<vmem>>, vector<1x441x256xf32>
      %swap3A_319 = vector.shape_cast %swap3A_318 : vector<1x441x256xf32> to vector<441x256xf32>
      %swap3A_320 = vector.shape_cast %broadcast_in_dim3A_314 : vector<441x256xf32> to vector<1x441x256xf32>
      tpu.vector_store %arg4[%swap3A_315, %swap3A_316, %swap3A_317], %swap3A_320 {strides = array<i32>} : memref<8x1016x256xf32, #tpu.memory_space<vmem>>, vector<1x441x256xf32>,
      %get3A_321 = arith.constant 0 : index
      %get3A_322 = arith.constant 0 : index
      %get3A_323 = vector.load %arg1[%get3A_321, %get3A_322] : memref<129x256xf32, #tpu.memory_space<vmem>>, vector<129x256xf32>
      %swap3A_324 = arith.constant 6 : index
      %swap3A_325 = arith.constant 441 : index
      %swap3A_326 = arith.constant 0 : index
      %swap3A_327 = vector.load %arg4[%swap3A_324, %swap3A_325, %swap3A_326] : memref<8x1016x256xf32, #tpu.memory_space<vmem>>, vector<1x129x256xf32>
      %swap3A_328 = vector.shape_cast %swap3A_327 : vector<1x129x256xf32> to vector<129x256xf32>
      %swap3A_329 = vector.shape_cast %get3A_323 : vector<129x256xf32> to vector<1x129x256xf32>
      tpu.vector_store %arg4[%swap3A_324, %swap3A_325, %swap3A_326], %swap3A_329 {strides = array<i32>} : memref<8x1016x256xf32, #tpu.memory_space<vmem>>, vector<1x129x256xf32>,
      %get3A_330 = arith.constant 128 : index
      %get3A_331 = arith.constant 0 : index
      %get3A_332 = vector.load %arg1[%get3A_330, %get3A_331] : memref<129x256xf32, #tpu.memory_space<vmem>>, vector<1x256xf32>
      %broadcast_in_dim3A_333 = vector.shape_cast %get3A_332 : vector<1x256xf32> to vector<1x256xf32>
      %broadcast_in_dim3A_334 = vector.broadcast %broadcast_in_dim3A_333 : vector<1x256xf32> to vector<446x256xf32>
      %swap3A_335 = arith.constant 6 : index
      %swap3A_336 = arith.constant 570 : index
      %swap3A_337 = arith.constant 0 : index
      %swap3A_338 = vector.load %arg4[%swap3A_335, %swap3A_336, %swap3A_337] : memref<8x1016x256xf32, #tpu.memory_space<vmem>>, vector<1x446x256xf32>
      %swap3A_339 = vector.shape_cast %swap3A_338 : vector<1x446x256xf32> to vector<446x256xf32>
      %swap3A_340 = vector.shape_cast %broadcast_in_dim3A_334 : vector<446x256xf32> to vector<1x446x256xf32>
      tpu.vector_store %arg4[%swap3A_335, %swap3A_336, %swap3A_337], %swap3A_340 {strides = array<i32>} : memref<8x1016x256xf32, #tpu.memory_space<vmem>>, vector<1x446x256xf32>,
      %get3A_341 = arith.constant 0 : index
      %get3A_342 = arith.constant 0 : index
      %get3A_343 = vector.load %arg1[%get3A_341, %get3A_342] : memref<129x256xf32, #tpu.memory_space<vmem>>, vector<1x256xf32>
      %broadcast_in_dim3A_344 = vector.shape_cast %get3A_343 : vector<1x256xf32> to vector<1x256xf32>
      %broadcast_in_dim3A_345 = vector.broadcast %broadcast_in_dim3A_344 : vector<1x256xf32> to vector<440x256xf32>
      %swap3A_346 = arith.constant 7 : index
      %swap3A_347 = arith.constant 0 : index
      %swap3A_348 = arith.constant 0 : index
      %swap3A_349 = vector.load %arg4[%swap3A_346, %swap3A_347, %swap3A_348] : memref<8x1016x256xf32, #tpu.memory_space<vmem>>, vector<1x440x256xf32>
      %swap3A_350 = vector.shape_cast %swap3A_349 : vector<1x440x256xf32> to vector<440x256xf32>
      %swap3A_351 = vector.shape_cast %broadcast_in_dim3A_345 : vector<440x256xf32> to vector<1x440x256xf32>
      tpu.vector_store %arg4[%swap3A_346, %swap3A_347, %swap3A_348], %swap3A_351 {strides = array<i32>} : memref<8x1016x256xf32, #tpu.memory_space<vmem>>, vector<1x440x256xf32>,
      %get3A_352 = arith.constant 0 : index
      %get3A_353 = arith.constant 0 : index
      %get3A_354 = vector.load %arg1[%get3A_352, %get3A_353] : memref<129x256xf32, #tpu.memory_space<vmem>>, vector<129x256xf32>
      %swap3A_355 = arith.constant 7 : index
      %swap3A_356 = arith.constant 440 : index
      %swap3A_357 = arith.constant 0 : index
      %swap3A_358 = vector.load %arg4[%swap3A_355, %swap3A_356, %swap3A_357] : memref<8x1016x256xf32, #tpu.memory_space<vmem>>, vector<1x129x256xf32>
      %swap3A_359 = vector.shape_cast %swap3A_358 : vector<1x129x256xf32> to vector<129x256xf32>
      %swap3A_360 = vector.shape_cast %get3A_354 : vector<129x256xf32> to vector<1x129x256xf32>
      tpu.vector_store %arg4[%swap3A_355, %swap3A_356, %swap3A_357], %swap3A_360 {strides = array<i32>} : memref<8x1016x256xf32, #tpu.memory_space<vmem>>, vector<1x129x256xf32>,
      %get3A_361 = arith.constant 128 : index
      %get3A_362 = arith.constant 0 : index
      %get3A_363 = vector.load %arg1[%get3A_361, %get3A_362] : memref<129x256xf32, #tpu.memory_space<vmem>>, vector<1x256xf32>
      %broadcast_in_dim3A_364 = vector.shape_cast %get3A_363 : vector<1x256xf32> to vector<1x256xf32>
      %broadcast_in_dim3A_365 = vector.broadcast %broadcast_in_dim3A_364 : vector<1x256xf32> to vector<447x256xf32>
      %swap3A_366 = arith.constant 7 : index
      %swap3A_367 = arith.constant 569 : index
      %swap3A_368 = arith.constant 0 : index
      %swap3A_369 = vector.load %arg4[%swap3A_366, %swap3A_367, %swap3A_368] : memref<8x1016x256xf32, #tpu.memory_space<vmem>>, vector<1x447x256xf32>
      %swap3A_370 = vector.shape_cast %swap3A_369 : vector<1x447x256xf32> to vector<447x256xf32>
      %swap3A_371 = vector.shape_cast %broadcast_in_dim3A_365 : vector<447x256xf32> to vector<1x447x256xf32>
      tpu.vector_store %arg4[%swap3A_366, %swap3A_367, %swap3A_368], %swap3A_371 {strides = array<i32>} : memref<8x1016x256xf32, #tpu.memory_space<vmem>>, vector<1x447x256xf32>,
    } else {
    }
    %mul3A = arith.constant 8 : i32
    %mul3A_2 = arith.muli %arg0, %mul3A : i32
    %sub3A = arith.constant 504 : i32
    %sub3A_3 = arith.subi %sub3A, %mul3A_2 : i32
    %multiple_of3A = tpu.assume_multiple %sub3A_3, 8 : i32
    %get3A = arith.constant 7 : index
    %get3A_4 = arith.index_cast %multiple_of3A : i32 to index
    %get3A_5 = arith.constant 0 : index
    %get3A_6 = vector.load %arg4[%get3A, %get3A_4, %get3A_5] : memref<8x1016x256xf32, #tpu.memory_space<vmem>>, vector<1x512x256xf32>
    %get3A_7 = vector.shape_cast %get3A_6 : vector<1x512x256xf32> to vector<512x256xf32>
    %swap3A = arith.constant 0 : index
    %swap3A_8 = arith.constant 0 : index
    %swap3A_9 = arith.constant 0 : index
    %swap3A_10 = vector.load %arg3[%swap3A, %swap3A_8, %swap3A_9] : memref<8x512x256xf32, #tpu.memory_space<vmem>>, vector<1x512x256xf32>
    %swap3A_11 = vector.shape_cast %swap3A_10 : vector<1x512x256xf32> to vector<512x256xf32>
    %swap3A_12 = vector.shape_cast %get3A_7 : vector<512x256xf32> to vector<1x512x256xf32>
    tpu.vector_store %arg3[%swap3A, %swap3A_8, %swap3A_9], %swap3A_12 {strides = array<i32>} : memref<8x512x256xf32, #tpu.memory_space<vmem>>, vector<1x512x256xf32>,
    %mul3A_13 = arith.constant 8 : i32
    %mul3A_14 = arith.muli %arg0, %mul3A_13 : i32
    %sub3A_15 = arith.constant 504 : i32
    %sub3A_16 = arith.subi %sub3A_15, %mul3A_14 : i32
    %multiple_of3A_17 = tpu.assume_multiple %sub3A_16, 8 : i32
    %get3A_18 = arith.constant 6 : index
    %get3A_19 = arith.index_cast %multiple_of3A_17 : i32 to index
    %get3A_20 = arith.constant 0 : index
    %get3A_21 = vector.load %arg4[%get3A_18, %get3A_19, %get3A_20] : memref<8x1016x256xf32, #tpu.memory_space<vmem>>, vector<1x512x256xf32>
    %get3A_22 = vector.shape_cast %get3A_21 : vector<1x512x256xf32> to vector<512x256xf32>
    %swap3A_23 = arith.constant 1 : index
    %swap3A_24 = arith.constant 0 : index
    %swap3A_25 = arith.constant 0 : index
    %swap3A_26 = vector.load %arg3[%swap3A_23, %swap3A_24, %swap3A_25] : memref<8x512x256xf32, #tpu.memory_space<vmem>>, vector<1x512x256xf32>
    %swap3A_27 = vector.shape_cast %swap3A_26 : vector<1x512x256xf32> to vector<512x256xf32>
    %swap3A_28 = vector.shape_cast %get3A_22 : vector<512x256xf32> to vector<1x512x256xf32>
    tpu.vector_store %arg3[%swap3A_23, %swap3A_24, %swap3A_25], %swap3A_28 {strides = array<i32>} : memref<8x512x256xf32, #tpu.memory_space<vmem>>, vector<1x512x256xf32>,
    %mul3A_29 = arith.constant 8 : i32
    %mul3A_30 = arith.muli %arg0, %mul3A_29 : i32
    %sub3A_31 = arith.constant 504 : i32
    %sub3A_32 = arith.subi %sub3A_31, %mul3A_30 : i32
    %multiple_of3A_33 = tpu.assume_multiple %sub3A_32, 8 : i32
    %get3A_34 = arith.constant 5 : index
    %get3A_35 = arith.index_cast %multiple_of3A_33 : i32 to index
    %get3A_36 = arith.constant 0 : index
    %get3A_37 = vector.load %arg4[%get3A_34, %get3A_35, %get3A_36] : memref<8x1016x256xf32, #tpu.memory_space<vmem>>, vector<1x512x256xf32>
    %get3A_38 = vector.shape_cast %get3A_37 : vector<1x512x256xf32> to vector<512x256xf32>
    %swap3A_39 = arith.constant 2 : index
    %swap3A_40 = arith.constant 0 : index
    %swap3A_41 = arith.constant 0 : index
    %swap3A_42 = vector.load %arg3[%swap3A_39, %swap3A_40, %swap3A_41] : memref<8x512x256xf32, #tpu.memory_space<vmem>>, vector<1x512x256xf32>
    %swap3A_43 = vector.shape_cast %swap3A_42 : vector<1x512x256xf32> to vector<512x256xf32>
    %swap3A_44 = vector.shape_cast %get3A_38 : vector<512x256xf32> to vector<1x512x256xf32>
    tpu.vector_store %arg3[%swap3A_39, %swap3A_40, %swap3A_41], %swap3A_44 {strides = array<i32>} : memref<8x512x256xf32, #tpu.memory_space<vmem>>, vector<1x512x256xf32>,
    %mul3A_45 = arith.constant 8 : i32
    %mul3A_46 = arith.muli %arg0, %mul3A_45 : i32
    %sub3A_47 = arith.constant 504 : i32
    %sub3A_48 = arith.subi %sub3A_47, %mul3A_46 : i32
    %multiple_of3A_49 = tpu.assume_multiple %sub3A_48, 8 : i32
    %get3A_50 = arith.constant 4 : index
    %get3A_51 = arith.index_cast %multiple_of3A_49 : i32 to index
    %get3A_52 = arith.constant 0 : index
    %get3A_53 = vector.load %arg4[%get3A_50, %get3A_51, %get3A_52] : memref<8x1016x256xf32, #tpu.memory_space<vmem>>, vector<1x512x256xf32>
    %get3A_54 = vector.shape_cast %get3A_53 : vector<1x512x256xf32> to vector<512x256xf32>
    %swap3A_55 = arith.constant 3 : index
    %swap3A_56 = arith.constant 0 : index
    %swap3A_57 = arith.constant 0 : index
    %swap3A_58 = vector.load %arg3[%swap3A_55, %swap3A_56, %swap3A_57] : memref<8x512x256xf32, #tpu.memory_space<vmem>>, vector<1x512x256xf32>
    %swap3A_59 = vector.shape_cast %swap3A_58 : vector<1x512x256xf32> to vector<512x256xf32>
    %swap3A_60 = vector.shape_cast %get3A_54 : vector<512x256xf32> to vector<1x512x256xf32>
    tpu.vector_store %arg3[%swap3A_55, %swap3A_56, %swap3A_57], %swap3A_60 {strides = array<i32>} : memref<8x512x256xf32, #tpu.memory_space<vmem>>, vector<1x512x256xf32>,
    %mul3A_61 = arith.constant 8 : i32
    %mul3A_62 = arith.muli %arg0, %mul3A_61 : i32
    %sub3A_63 = arith.constant 504 : i32
    %sub3A_64 = arith.subi %sub3A_63, %mul3A_62 : i32
    %multiple_of3A_65 = tpu.assume_multiple %sub3A_64, 8 : i32
    %get3A_66 = arith.constant 3 : index
    %get3A_67 = arith.index_cast %multiple_of3A_65 : i32 to index
    %get3A_68 = arith.constant 0 : index
    %get3A_69 = vector.load %arg4[%get3A_66, %get3A_67, %get3A_68] : memref<8x1016x256xf32, #tpu.memory_space<vmem>>, vector<1x512x256xf32>
    %get3A_70 = vector.shape_cast %get3A_69 : vector<1x512x256xf32> to vector<512x256xf32>
    %swap3A_71 = arith.constant 4 : index
    %swap3A_72 = arith.constant 0 : index
    %swap3A_73 = arith.constant 0 : index
    %swap3A_74 = vector.load %arg3[%swap3A_71, %swap3A_72, %swap3A_73] : memref<8x512x256xf32, #tpu.memory_space<vmem>>, vector<1x512x256xf32>
    %swap3A_75 = vector.shape_cast %swap3A_74 : vector<1x512x256xf32> to vector<512x256xf32>
    %swap3A_76 = vector.shape_cast %get3A_70 : vector<512x256xf32> to vector<1x512x256xf32>
    tpu.vector_store %arg3[%swap3A_71, %swap3A_72, %swap3A_73], %swap3A_76 {strides = array<i32>} : memref<8x512x256xf32, #tpu.memory_space<vmem>>, vector<1x512x256xf32>,
    %mul3A_77 = arith.constant 8 : i32
    %mul3A_78 = arith.muli %arg0, %mul3A_77 : i32
    %sub3A_79 = arith.constant 504 : i32
    %sub3A_80 = arith.subi %sub3A_79, %mul3A_78 : i32
    %multiple_of3A_81 = tpu.assume_multiple %sub3A_80, 8 : i32
    %get3A_82 = arith.constant 2 : index
    %get3A_83 = arith.index_cast %multiple_of3A_81 : i32 to index
    %get3A_84 = arith.constant 0 : index
    %get3A_85 = vector.load %arg4[%get3A_82, %get3A_83, %get3A_84] : memref<8x1016x256xf32, #tpu.memory_space<vmem>>, vector<1x512x256xf32>
    %get3A_86 = vector.shape_cast %get3A_85 : vector<1x512x256xf32> to vector<512x256xf32>
    %swap3A_87 = arith.constant 5 : index
    %swap3A_88 = arith.constant 0 : index
    %swap3A_89 = arith.constant 0 : index
    %swap3A_90 = vector.load %arg3[%swap3A_87, %swap3A_88, %swap3A_89] : memref<8x512x256xf32, #tpu.memory_space<vmem>>, vector<1x512x256xf32>
    %swap3A_91 = vector.shape_cast %swap3A_90 : vector<1x512x256xf32> to vector<512x256xf32>
    %swap3A_92 = vector.shape_cast %get3A_86 : vector<512x256xf32> to vector<1x512x256xf32>
    tpu.vector_store %arg3[%swap3A_87, %swap3A_88, %swap3A_89], %swap3A_92 {strides = array<i32>} : memref<8x512x256xf32, #tpu.memory_space<vmem>>, vector<1x512x256xf32>,
    %mul3A_93 = arith.constant 8 : i32
    %mul3A_94 = arith.muli %arg0, %mul3A_93 : i32
    %sub3A_95 = arith.constant 504 : i32
    %sub3A_96 = arith.subi %sub3A_95, %mul3A_94 : i32
    %multiple_of3A_97 = tpu.assume_multiple %sub3A_96, 8 : i32
    %get3A_98 = arith.constant 1 : index
    %get3A_99 = arith.index_cast %multiple_of3A_97 : i32 to index
    %get3A_100 = arith.constant 0 : index
    %get3A_101 = vector.load %arg4[%get3A_98, %get3A_99, %get3A_100] : memref<8x1016x256xf32, #tpu.memory_space<vmem>>, vector<1x512x256xf32>
    %get3A_102 = vector.shape_cast %get3A_101 : vector<1x512x256xf32> to vector<512x256xf32>
    %swap3A_103 = arith.constant 6 : index
    %swap3A_104 = arith.constant 0 : index
    %swap3A_105 = arith.constant 0 : index
    %swap3A_106 = vector.load %arg3[%swap3A_103, %swap3A_104, %swap3A_105] : memref<8x512x256xf32, #tpu.memory_space<vmem>>, vector<1x512x256xf32>
    %swap3A_107 = vector.shape_cast %swap3A_106 : vector<1x512x256xf32> to vector<512x256xf32>
    %swap3A_108 = vector.shape_cast %get3A_102 : vector<512x256xf32> to vector<1x512x256xf32>
    tpu.vector_store %arg3[%swap3A_103, %swap3A_104, %swap3A_105], %swap3A_108 {strides = array<i32>} : memref<8x512x256xf32, #tpu.memory_space<vmem>>, vector<1x512x256xf32>,
    %mul3A_109 = arith.constant 8 : i32
    %mul3A_110 = arith.muli %arg0, %mul3A_109 : i32
    %sub3A_111 = arith.constant 504 : i32
    %sub3A_112 = arith.subi %sub3A_111, %mul3A_110 : i32
    %multiple_of3A_113 = tpu.assume_multiple %sub3A_112, 8 : i32
    %get3A_114 = arith.constant 0 : index
    %get3A_115 = arith.index_cast %multiple_of3A_113 : i32 to index
    %get3A_116 = arith.constant 0 : index
    %get3A_117 = vector.load %arg4[%get3A_114, %get3A_115, %get3A_116] : memref<8x1016x256xf32, #tpu.memory_space<vmem>>, vector<1x512x256xf32>
    %get3A_118 = vector.shape_cast %get3A_117 : vector<1x512x256xf32> to vector<512x256xf32>
    %swap3A_119 = arith.constant 7 : index
    %swap3A_120 = arith.constant 0 : index
    %swap3A_121 = arith.constant 0 : index
    %swap3A_122 = vector.load %arg3[%swap3A_119, %swap3A_120, %swap3A_121] : memref<8x512x256xf32, #tpu.memory_space<vmem>>, vector<1x512x256xf32>
    %swap3A_123 = vector.shape_cast %swap3A_122 : vector<1x512x256xf32> to vector<512x256xf32>
    %swap3A_124 = vector.shape_cast %get3A_118 : vector<512x256xf32> to vector<1x512x256xf32>
    tpu.vector_store %arg3[%swap3A_119, %swap3A_120, %swap3A_121], %swap3A_124 {strides = array<i32>} : memref<8x512x256xf32, #tpu.memory_space<vmem>>, vector<1x512x256xf32>,
    return
  }
  func.func @transform_0(%arg0: i32) -> (i32, i32) {
    %c0_i32 = arith.constant 0 : i32
    %c0_i32_0 = arith.constant 0 : i32
    %c0_i32_1 = arith.constant 0 : i32
    return %c0_i32, %c0_i32_0 : i32, i32
  }
  func.func @transform_2(%arg0: i32) -> (i32, i32, i32) {
    %c0_i32 = arith.constant 0 : i32
    %c0_i32_0 = arith.constant 0 : i32
    %c0_i32_1 = arith.constant 0 : i32
    return %arg0, %c0_i32, %c0_i32_0 : i32, i32, i32
  }
}

module attributes {stable_mosaic.version = 14 : i64} {
  func.func @_rel_pos_tc_body(%arg0: i32, %arg1: memref<129x256xf32, #tpu.memory_space<vmem>>, %arg2: memref<8x512x256xf32, #tpu.memory_space<vmem>>, %arg3: memref<8x1016x256xf32, #tpu.memory_space<vmem>>) attributes {dimension_semantics = [#tpu.dimension_semantics<arbitrary>], iteration_bounds = array<i64: 64>, scalar_prefetch = 0 : i64, scratch_operands = 1 : i64, tpu.core_type = #tpu.core_type<tc>, window_params = [{pipeline_mode = #tpu.pipeline_mode<synchronous>, transform_indices = @transform_0, window_bounds = array<i64: 129, 256>}, {transform_indices = @transform_1, window_bounds = array<i64: 8, 512, 256>}]} {
    %eq3A = arith.constant 0 : i32
    %eq3A_0 = arith.cmpi eq, %arg0, %eq3A : i32
    %convert_element_type3A = arith.extui %eq3A_0 : i1 to i32
    %cond3A = arith.constant 0 : i32
    %cond3A_1 = arith.cmpi ne, %convert_element_type3A, %cond3A : i32
    scf.if %cond3A_1 {
      %get3A_125 = arith.constant 0 : index
      %get3A_126 = arith.constant 0 : index
      %get3A_127 = vector.load %arg1[%get3A_125, %get3A_126] : memref<129x256xf32, #tpu.memory_space<vmem>>, vector<1x256xf32>
      %broadcast_in_dim3A = vector.shape_cast %get3A_127 : vector<1x256xf32> to vector<1x256xf32>
      %broadcast_in_dim3A_128 = vector.broadcast %broadcast_in_dim3A : vector<1x256xf32> to vector<447x256xf32>
      %swap3A_129 = arith.constant 0 : index
      %swap3A_130 = arith.constant 0 : index
      %swap3A_131 = arith.constant 0 : index
      %swap3A_132 = vector.load %arg3[%swap3A_129, %swap3A_130, %swap3A_131] : memref<8x1016x256xf32, #tpu.memory_space<vmem>>, vector<1x447x256xf32>
      %swap3A_133 = vector.shape_cast %swap3A_132 : vector<1x447x256xf32> to vector<447x256xf32>
      %swap3A_134 = vector.shape_cast %broadcast_in_dim3A_128 : vector<447x256xf32> to vector<1x447x256xf32>
      tpu.vector_store %arg3[%swap3A_129, %swap3A_130, %swap3A_131], %swap3A_134 {strides = array<i32>} : memref<8x1016x256xf32, #tpu.memory_space<vmem>>, vector<1x447x256xf32>,
      %get3A_135 = arith.constant 0 : index
      %get3A_136 = arith.constant 0 : index
      %get3A_137 = vector.load %arg1[%get3A_135, %get3A_136] : memref<129x256xf32, #tpu.memory_space<vmem>>, vector<129x256xf32>
      %swap3A_138 = arith.constant 0 : index
      %swap3A_139 = arith.constant 447 : index
      %swap3A_140 = arith.constant 0 : index
      %swap3A_141 = vector.load %arg3[%swap3A_138, %swap3A_139, %swap3A_140] : memref<8x1016x256xf32, #tpu.memory_space<vmem>>, vector<1x129x256xf32>
      %swap3A_142 = vector.shape_cast %swap3A_141 : vector<1x129x256xf32> to vector<129x256xf32>
      %swap3A_143 = vector.shape_cast %get3A_137 : vector<129x256xf32> to vector<1x129x256xf32>
      tpu.vector_store %arg3[%swap3A_138, %swap3A_139, %swap3A_140], %swap3A_143 {strides = array<i32>} : memref<8x1016x256xf32, #tpu.memory_space<vmem>>, vector<1x129x256xf32>,
      %get3A_144 = arith.constant 128 : index
      %get3A_145 = arith.constant 0 : index
      %get3A_146 = vector.load %arg1[%get3A_144, %get3A_145] : memref<129x256xf32, #tpu.memory_space<vmem>>, vector<1x256xf32>
      %broadcast_in_dim3A_147 = vector.shape_cast %get3A_146 : vector<1x256xf32> to vector<1x256xf32>
      %broadcast_in_dim3A_148 = vector.broadcast %broadcast_in_dim3A_147 : vector<1x256xf32> to vector<440x256xf32>
      %swap3A_149 = arith.constant 0 : index
      %swap3A_150 = arith.constant 576 : index
      %swap3A_151 = arith.constant 0 : index
      %swap3A_152 = vector.load %arg3[%swap3A_149, %swap3A_150, %swap3A_151] : memref<8x1016x256xf32, #tpu.memory_space<vmem>>, vector<1x440x256xf32>
      %swap3A_153 = vector.shape_cast %swap3A_152 : vector<1x440x256xf32> to vector<440x256xf32>
      %swap3A_154 = vector.shape_cast %broadcast_in_dim3A_148 : vector<440x256xf32> to vector<1x440x256xf32>
      tpu.vector_store %arg3[%swap3A_149, %swap3A_150, %swap3A_151], %swap3A_154 {strides = array<i32>} : memref<8x1016x256xf32, #tpu.memory_space<vmem>>, vector<1x440x256xf32>,
      %get3A_155 = arith.constant 0 : index
      %get3A_156 = arith.constant 0 : index
      %get3A_157 = vector.load %arg1[%get3A_155, %get3A_156] : memref<129x256xf32, #tpu.memory_space<vmem>>, vector<1x256xf32>
      %broadcast_in_dim3A_158 = vector.shape_cast %get3A_157 : vector<1x256xf32> to vector<1x256xf32>
      %broadcast_in_dim3A_159 = vector.broadcast %broadcast_in_dim3A_158 : vector<1x256xf32> to vector<446x256xf32>
      %swap3A_160 = arith.constant 1 : index
      %swap3A_161 = arith.constant 0 : index
      %swap3A_162 = arith.constant 0 : index
      %swap3A_163 = vector.load %arg3[%swap3A_160, %swap3A_161, %swap3A_162] : memref<8x1016x256xf32, #tpu.memory_space<vmem>>, vector<1x446x256xf32>
      %swap3A_164 = vector.shape_cast %swap3A_163 : vector<1x446x256xf32> to vector<446x256xf32>
      %swap3A_165 = vector.shape_cast %broadcast_in_dim3A_159 : vector<446x256xf32> to vector<1x446x256xf32>
      tpu.vector_store %arg3[%swap3A_160, %swap3A_161, %swap3A_162], %swap3A_165 {strides = array<i32>} : memref<8x1016x256xf32, #tpu.memory_space<vmem>>, vector<1x446x256xf32>,
      %get3A_166 = arith.constant 0 : index
      %get3A_167 = arith.constant 0 : index
      %get3A_168 = vector.load %arg1[%get3A_166, %get3A_167] : memref<129x256xf32, #tpu.memory_space<vmem>>, vector<129x256xf32>
      %swap3A_169 = arith.constant 1 : index
      %swap3A_170 = arith.constant 446 : index
      %swap3A_171 = arith.constant 0 : index
      %swap3A_172 = vector.load %arg3[%swap3A_169, %swap3A_170, %swap3A_171] : memref<8x1016x256xf32, #tpu.memory_space<vmem>>, vector<1x129x256xf32>
      %swap3A_173 = vector.shape_cast %swap3A_172 : vector<1x129x256xf32> to vector<129x256xf32>
      %swap3A_174 = vector.shape_cast %get3A_168 : vector<129x256xf32> to vector<1x129x256xf32>
      tpu.vector_store %arg3[%swap3A_169, %swap3A_170, %swap3A_171], %swap3A_174 {strides = array<i32>} : memref<8x1016x256xf32, #tpu.memory_space<vmem>>, vector<1x129x256xf32>,
      %get3A_175 = arith.constant 128 : index
      %get3A_176 = arith.constant 0 : index
      %get3A_177 = vector.load %arg1[%get3A_175, %get3A_176] : memref<129x256xf32, #tpu.memory_space<vmem>>, vector<1x256xf32>
      %broadcast_in_dim3A_178 = vector.shape_cast %get3A_177 : vector<1x256xf32> to vector<1x256xf32>
      %broadcast_in_dim3A_179 = vector.broadcast %broadcast_in_dim3A_178 : vector<1x256xf32> to vector<441x256xf32>
      %swap3A_180 = arith.constant 1 : index
      %swap3A_181 = arith.constant 575 : index
      %swap3A_182 = arith.constant 0 : index
      %swap3A_183 = vector.load %arg3[%swap3A_180, %swap3A_181, %swap3A_182] : memref<8x1016x256xf32, #tpu.memory_space<vmem>>, vector<1x441x256xf32>
      %swap3A_184 = vector.shape_cast %swap3A_183 : vector<1x441x256xf32> to vector<441x256xf32>
      %swap3A_185 = vector.shape_cast %broadcast_in_dim3A_179 : vector<441x256xf32> to vector<1x441x256xf32>
      tpu.vector_store %arg3[%swap3A_180, %swap3A_181, %swap3A_182], %swap3A_185 {strides = array<i32>} : memref<8x1016x256xf32, #tpu.memory_space<vmem>>, vector<1x441x256xf32>,
      %get3A_186 = arith.constant 0 : index
      %get3A_187 = arith.constant 0 : index
      %get3A_188 = vector.load %arg1[%get3A_186, %get3A_187] : memref<129x256xf32, #tpu.memory_space<vmem>>, vector<1x256xf32>
      %broadcast_in_dim3A_189 = vector.shape_cast %get3A_188 : vector<1x256xf32> to vector<1x256xf32>
      %broadcast_in_dim3A_190 = vector.broadcast %broadcast_in_dim3A_189 : vector<1x256xf32> to vector<445x256xf32>
      %swap3A_191 = arith.constant 2 : index
      %swap3A_192 = arith.constant 0 : index
      %swap3A_193 = arith.constant 0 : index
      %swap3A_194 = vector.load %arg3[%swap3A_191, %swap3A_192, %swap3A_193] : memref<8x1016x256xf32, #tpu.memory_space<vmem>>, vector<1x445x256xf32>
      %swap3A_195 = vector.shape_cast %swap3A_194 : vector<1x445x256xf32> to vector<445x256xf32>
      %swap3A_196 = vector.shape_cast %broadcast_in_dim3A_190 : vector<445x256xf32> to vector<1x445x256xf32>
      tpu.vector_store %arg3[%swap3A_191, %swap3A_192, %swap3A_193], %swap3A_196 {strides = array<i32>} : memref<8x1016x256xf32, #tpu.memory_space<vmem>>, vector<1x445x256xf32>,
      %get3A_197 = arith.constant 0 : index
      %get3A_198 = arith.constant 0 : index
      %get3A_199 = vector.load %arg1[%get3A_197, %get3A_198] : memref<129x256xf32, #tpu.memory_space<vmem>>, vector<129x256xf32>
      %swap3A_200 = arith.constant 2 : index
      %swap3A_201 = arith.constant 445 : index
      %swap3A_202 = arith.constant 0 : index
      %swap3A_203 = vector.load %arg3[%swap3A_200, %swap3A_201, %swap3A_202] : memref<8x1016x256xf32, #tpu.memory_space<vmem>>, vector<1x129x256xf32>
      %swap3A_204 = vector.shape_cast %swap3A_203 : vector<1x129x256xf32> to vector<129x256xf32>
      %swap3A_205 = vector.shape_cast %get3A_199 : vector<129x256xf32> to vector<1x129x256xf32>
      tpu.vector_store %arg3[%swap3A_200, %swap3A_201, %swap3A_202], %swap3A_205 {strides = array<i32>} : memref<8x1016x256xf32, #tpu.memory_space<vmem>>, vector<1x129x256xf32>,
      %get3A_206 = arith.constant 128 : index
      %get3A_207 = arith.constant 0 : index
      %get3A_208 = vector.load %arg1[%get3A_206, %get3A_207] : memref<129x256xf32, #tpu.memory_space<vmem>>, vector<1x256xf32>
      %broadcast_in_dim3A_209 = vector.shape_cast %get3A_208 : vector<1x256xf32> to vector<1x256xf32>
      %broadcast_in_dim3A_210 = vector.broadcast %broadcast_in_dim3A_209 : vector<1x256xf32> to vector<442x256xf32>
      %swap3A_211 = arith.constant 2 : index
      %swap3A_212 = arith.constant 574 : index
      %swap3A_213 = arith.constant 0 : index
      %swap3A_214 = vector.load %arg3[%swap3A_211, %swap3A_212, %swap3A_213] : memref<8x1016x256xf32, #tpu.memory_space<vmem>>, vector<1x442x256xf32>
      %swap3A_215 = vector.shape_cast %swap3A_214 : vector<1x442x256xf32> to vector<442x256xf32>
      %swap3A_216 = vector.shape_cast %broadcast_in_dim3A_210 : vector<442x256xf32> to vector<1x442x256xf32>
      tpu.vector_store %arg3[%swap3A_211, %swap3A_212, %swap3A_213], %swap3A_216 {strides = array<i32>} : memref<8x1016x256xf32, #tpu.memory_space<vmem>>, vector<1x442x256xf32>,
      %get3A_217 = arith.constant 0 : index
      %get3A_218 = arith.constant 0 : index
      %get3A_219 = vector.load %arg1[%get3A_217, %get3A_218] : memref<129x256xf32, #tpu.memory_space<vmem>>, vector<1x256xf32>
      %broadcast_in_dim3A_220 = vector.shape_cast %get3A_219 : vector<1x256xf32> to vector<1x256xf32>
      %broadcast_in_dim3A_221 = vector.broadcast %broadcast_in_dim3A_220 : vector<1x256xf32> to vector<444x256xf32>
      %swap3A_222 = arith.constant 3 : index
      %swap3A_223 = arith.constant 0 : index
      %swap3A_224 = arith.constant 0 : index
      %swap3A_225 = vector.load %arg3[%swap3A_222, %swap3A_223, %swap3A_224] : memref<8x1016x256xf32, #tpu.memory_space<vmem>>, vector<1x444x256xf32>
      %swap3A_226 = vector.shape_cast %swap3A_225 : vector<1x444x256xf32> to vector<444x256xf32>
      %swap3A_227 = vector.shape_cast %broadcast_in_dim3A_221 : vector<444x256xf32> to vector<1x444x256xf32>
      tpu.vector_store %arg3[%swap3A_222, %swap3A_223, %swap3A_224], %swap3A_227 {strides = array<i32>} : memref<8x1016x256xf32, #tpu.memory_space<vmem>>, vector<1x444x256xf32>,
      %get3A_228 = arith.constant 0 : index
      %get3A_229 = arith.constant 0 : index
      %get3A_230 = vector.load %arg1[%get3A_228, %get3A_229] : memref<129x256xf32, #tpu.memory_space<vmem>>, vector<129x256xf32>
      %swap3A_231 = arith.constant 3 : index
      %swap3A_232 = arith.constant 444 : index
      %swap3A_233 = arith.constant 0 : index
      %swap3A_234 = vector.load %arg3[%swap3A_231, %swap3A_232, %swap3A_233] : memref<8x1016x256xf32, #tpu.memory_space<vmem>>, vector<1x129x256xf32>
      %swap3A_235 = vector.shape_cast %swap3A_234 : vector<1x129x256xf32> to vector<129x256xf32>
      %swap3A_236 = vector.shape_cast %get3A_230 : vector<129x256xf32> to vector<1x129x256xf32>
      tpu.vector_store %arg3[%swap3A_231, %swap3A_232, %swap3A_233], %swap3A_236 {strides = array<i32>} : memref<8x1016x256xf32, #tpu.memory_space<vmem>>, vector<1x129x256xf32>,
      %get3A_237 = arith.constant 128 : index
      %get3A_238 = arith.constant 0 : index
      %get3A_239 = vector.load %arg1[%get3A_237, %get3A_238] : memref<129x256xf32, #tpu.memory_space<vmem>>, vector<1x256xf32>
      %broadcast_in_dim3A_240 = vector.shape_cast %get3A_239 : vector<1x256xf32> to vector<1x256xf32>
      %broadcast_in_dim3A_241 = vector.broadcast %broadcast_in_dim3A_240 : vector<1x256xf32> to vector<443x256xf32>
      %swap3A_242 = arith.constant 3 : index
      %swap3A_243 = arith.constant 573 : index
      %swap3A_244 = arith.constant 0 : index
      %swap3A_245 = vector.load %arg3[%swap3A_242, %swap3A_243, %swap3A_244] : memref<8x1016x256xf32, #tpu.memory_space<vmem>>, vector<1x443x256xf32>
      %swap3A_246 = vector.shape_cast %swap3A_245 : vector<1x443x256xf32> to vector<443x256xf32>
      %swap3A_247 = vector.shape_cast %broadcast_in_dim3A_241 : vector<443x256xf32> to vector<1x443x256xf32>
      tpu.vector_store %arg3[%swap3A_242, %swap3A_243, %swap3A_244], %swap3A_247 {strides = array<i32>} : memref<8x1016x256xf32, #tpu.memory_space<vmem>>, vector<1x443x256xf32>,
      %get3A_248 = arith.constant 0 : index
      %get3A_249 = arith.constant 0 : index
      %get3A_250 = vector.load %arg1[%get3A_248, %get3A_249] : memref<129x256xf32, #tpu.memory_space<vmem>>, vector<1x256xf32>
      %broadcast_in_dim3A_251 = vector.shape_cast %get3A_250 : vector<1x256xf32> to vector<1x256xf32>
      %broadcast_in_dim3A_252 = vector.broadcast %broadcast_in_dim3A_251 : vector<1x256xf32> to vector<443x256xf32>
      %swap3A_253 = arith.constant 4 : index
      %swap3A_254 = arith.constant 0 : index
      %swap3A_255 = arith.constant 0 : index
      %swap3A_256 = vector.load %arg3[%swap3A_253, %swap3A_254, %swap3A_255] : memref<8x1016x256xf32, #tpu.memory_space<vmem>>, vector<1x443x256xf32>
      %swap3A_257 = vector.shape_cast %swap3A_256 : vector<1x443x256xf32> to vector<443x256xf32>
      %swap3A_258 = vector.shape_cast %broadcast_in_dim3A_252 : vector<443x256xf32> to vector<1x443x256xf32>
      tpu.vector_store %arg3[%swap3A_253, %swap3A_254, %swap3A_255], %swap3A_258 {strides = array<i32>} : memref<8x1016x256xf32, #tpu.memory_space<vmem>>, vector<1x443x256xf32>,
      %get3A_259 = arith.constant 0 : index
      %get3A_260 = arith.constant 0 : index
      %get3A_261 = vector.load %arg1[%get3A_259, %get3A_260] : memref<129x256xf32, #tpu.memory_space<vmem>>, vector<129x256xf32>
      %swap3A_262 = arith.constant 4 : index
      %swap3A_263 = arith.constant 443 : index
      %swap3A_264 = arith.constant 0 : index
      %swap3A_265 = vector.load %arg3[%swap3A_262, %swap3A_263, %swap3A_264] : memref<8x1016x256xf32, #tpu.memory_space<vmem>>, vector<1x129x256xf32>
      %swap3A_266 = vector.shape_cast %swap3A_265 : vector<1x129x256xf32> to vector<129x256xf32>
      %swap3A_267 = vector.shape_cast %get3A_261 : vector<129x256xf32> to vector<1x129x256xf32>
      tpu.vector_store %arg3[%swap3A_262, %swap3A_263, %swap3A_264], %swap3A_267 {strides = array<i32>} : memref<8x1016x256xf32, #tpu.memory_space<vmem>>, vector<1x129x256xf32>,
      %get3A_268 = arith.constant 128 : index
      %get3A_269 = arith.constant 0 : index
      %get3A_270 = vector.load %arg1[%get3A_268, %get3A_269] : memref<129x256xf32, #tpu.memory_space<vmem>>, vector<1x256xf32>
      %broadcast_in_dim3A_271 = vector.shape_cast %get3A_270 : vector<1x256xf32> to vector<1x256xf32>
      %broadcast_in_dim3A_272 = vector.broadcast %broadcast_in_dim3A_271 : vector<1x256xf32> to vector<444x256xf32>
      %swap3A_273 = arith.constant 4 : index
      %swap3A_274 = arith.constant 572 : index
      %swap3A_275 = arith.constant 0 : index
      %swap3A_276 = vector.load %arg3[%swap3A_273, %swap3A_274, %swap3A_275] : memref<8x1016x256xf32, #tpu.memory_space<vmem>>, vector<1x444x256xf32>
      %swap3A_277 = vector.shape_cast %swap3A_276 : vector<1x444x256xf32> to vector<444x256xf32>
      %swap3A_278 = vector.shape_cast %broadcast_in_dim3A_272 : vector<444x256xf32> to vector<1x444x256xf32>
      tpu.vector_store %arg3[%swap3A_273, %swap3A_274, %swap3A_275], %swap3A_278 {strides = array<i32>} : memref<8x1016x256xf32, #tpu.memory_space<vmem>>, vector<1x444x256xf32>,
      %get3A_279 = arith.constant 0 : index
      %get3A_280 = arith.constant 0 : index
      %get3A_281 = vector.load %arg1[%get3A_279, %get3A_280] : memref<129x256xf32, #tpu.memory_space<vmem>>, vector<1x256xf32>
      %broadcast_in_dim3A_282 = vector.shape_cast %get3A_281 : vector<1x256xf32> to vector<1x256xf32>
      %broadcast_in_dim3A_283 = vector.broadcast %broadcast_in_dim3A_282 : vector<1x256xf32> to vector<442x256xf32>
      %swap3A_284 = arith.constant 5 : index
      %swap3A_285 = arith.constant 0 : index
      %swap3A_286 = arith.constant 0 : index
      %swap3A_287 = vector.load %arg3[%swap3A_284, %swap3A_285, %swap3A_286] : memref<8x1016x256xf32, #tpu.memory_space<vmem>>, vector<1x442x256xf32>
      %swap3A_288 = vector.shape_cast %swap3A_287 : vector<1x442x256xf32> to vector<442x256xf32>
      %swap3A_289 = vector.shape_cast %broadcast_in_dim3A_283 : vector<442x256xf32> to vector<1x442x256xf32>
      tpu.vector_store %arg3[%swap3A_284, %swap3A_285, %swap3A_286], %swap3A_289 {strides = array<i32>} : memref<8x1016x256xf32, #tpu.memory_space<vmem>>, vector<1x442x256xf32>,
      %get3A_290 = arith.constant 0 : index
      %get3A_291 = arith.constant 0 : index
      %get3A_292 = vector.load %arg1[%get3A_290, %get3A_291] : memref<129x256xf32, #tpu.memory_space<vmem>>, vector<129x256xf32>
      %swap3A_293 = arith.constant 5 : index
      %swap3A_294 = arith.constant 442 : index
      %swap3A_295 = arith.constant 0 : index
      %swap3A_296 = vector.load %arg3[%swap3A_293, %swap3A_294, %swap3A_295] : memref<8x1016x256xf32, #tpu.memory_space<vmem>>, vector<1x129x256xf32>
      %swap3A_297 = vector.shape_cast %swap3A_296 : vector<1x129x256xf32> to vector<129x256xf32>
      %swap3A_298 = vector.shape_cast %get3A_292 : vector<129x256xf32> to vector<1x129x256xf32>
      tpu.vector_store %arg3[%swap3A_293, %swap3A_294, %swap3A_295], %swap3A_298 {strides = array<i32>} : memref<8x1016x256xf32, #tpu.memory_space<vmem>>, vector<1x129x256xf32>,
      %get3A_299 = arith.constant 128 : index
      %get3A_300 = arith.constant 0 : index
      %get3A_301 = vector.load %arg1[%get3A_299, %get3A_300] : memref<129x256xf32, #tpu.memory_space<vmem>>, vector<1x256xf32>
      %broadcast_in_dim3A_302 = vector.shape_cast %get3A_301 : vector<1x256xf32> to vector<1x256xf32>
      %broadcast_in_dim3A_303 = vector.broadcast %broadcast_in_dim3A_302 : vector<1x256xf32> to vector<445x256xf32>
      %swap3A_304 = arith.constant 5 : index
      %swap3A_305 = arith.constant 571 : index
      %swap3A_306 = arith.constant 0 : index
      %swap3A_307 = vector.load %arg3[%swap3A_304, %swap3A_305, %swap3A_306] : memref<8x1016x256xf32, #tpu.memory_space<vmem>>, vector<1x445x256xf32>
      %swap3A_308 = vector.shape_cast %swap3A_307 : vector<1x445x256xf32> to vector<445x256xf32>
      %swap3A_309 = vector.shape_cast %broadcast_in_dim3A_303 : vector<445x256xf32> to vector<1x445x256xf32>
      tpu.vector_store %arg3[%swap3A_304, %swap3A_305, %swap3A_306], %swap3A_309 {strides = array<i32>} : memref<8x1016x256xf32, #tpu.memory_space<vmem>>, vector<1x445x256xf32>,
      %get3A_310 = arith.constant 0 : index
      %get3A_311 = arith.constant 0 : index
      %get3A_312 = vector.load %arg1[%get3A_310, %get3A_311] : memref<129x256xf32, #tpu.memory_space<vmem>>, vector<1x256xf32>
      %broadcast_in_dim3A_313 = vector.shape_cast %get3A_312 : vector<1x256xf32> to vector<1x256xf32>
      %broadcast_in_dim3A_314 = vector.broadcast %broadcast_in_dim3A_313 : vector<1x256xf32> to vector<441x256xf32>
      %swap3A_315 = arith.constant 6 : index
      %swap3A_316 = arith.constant 0 : index
      %swap3A_317 = arith.constant 0 : index
      %swap3A_318 = vector.load %arg3[%swap3A_315, %swap3A_316, %swap3A_317] : memref<8x1016x256xf32, #tpu.memory_space<vmem>>, vector<1x441x256xf32>
      %swap3A_319 = vector.shape_cast %swap3A_318 : vector<1x441x256xf32> to vector<441x256xf32>
      %swap3A_320 = vector.shape_cast %broadcast_in_dim3A_314 : vector<441x256xf32> to vector<1x441x256xf32>
      tpu.vector_store %arg3[%swap3A_315, %swap3A_316, %swap3A_317], %swap3A_320 {strides = array<i32>} : memref<8x1016x256xf32, #tpu.memory_space<vmem>>, vector<1x441x256xf32>,
      %get3A_321 = arith.constant 0 : index
      %get3A_322 = arith.constant 0 : index
      %get3A_323 = vector.load %arg1[%get3A_321, %get3A_322] : memref<129x256xf32, #tpu.memory_space<vmem>>, vector<129x256xf32>
      %swap3A_324 = arith.constant 6 : index
      %swap3A_325 = arith.constant 441 : index
      %swap3A_326 = arith.constant 0 : index
      %swap3A_327 = vector.load %arg3[%swap3A_324, %swap3A_325, %swap3A_326] : memref<8x1016x256xf32, #tpu.memory_space<vmem>>, vector<1x129x256xf32>
      %swap3A_328 = vector.shape_cast %swap3A_327 : vector<1x129x256xf32> to vector<129x256xf32>
      %swap3A_329 = vector.shape_cast %get3A_323 : vector<129x256xf32> to vector<1x129x256xf32>
      tpu.vector_store %arg3[%swap3A_324, %swap3A_325, %swap3A_326], %swap3A_329 {strides = array<i32>} : memref<8x1016x256xf32, #tpu.memory_space<vmem>>, vector<1x129x256xf32>,
      %get3A_330 = arith.constant 128 : index
      %get3A_331 = arith.constant 0 : index
      %get3A_332 = vector.load %arg1[%get3A_330, %get3A_331] : memref<129x256xf32, #tpu.memory_space<vmem>>, vector<1x256xf32>
      %broadcast_in_dim3A_333 = vector.shape_cast %get3A_332 : vector<1x256xf32> to vector<1x256xf32>
      %broadcast_in_dim3A_334 = vector.broadcast %broadcast_in_dim3A_333 : vector<1x256xf32> to vector<446x256xf32>
      %swap3A_335 = arith.constant 6 : index
      %swap3A_336 = arith.constant 570 : index
      %swap3A_337 = arith.constant 0 : index
      %swap3A_338 = vector.load %arg3[%swap3A_335, %swap3A_336, %swap3A_337] : memref<8x1016x256xf32, #tpu.memory_space<vmem>>, vector<1x446x256xf32>
      %swap3A_339 = vector.shape_cast %swap3A_338 : vector<1x446x256xf32> to vector<446x256xf32>
      %swap3A_340 = vector.shape_cast %broadcast_in_dim3A_334 : vector<446x256xf32> to vector<1x446x256xf32>
      tpu.vector_store %arg3[%swap3A_335, %swap3A_336, %swap3A_337], %swap3A_340 {strides = array<i32>} : memref<8x1016x256xf32, #tpu.memory_space<vmem>>, vector<1x446x256xf32>,
      %get3A_341 = arith.constant 0 : index
      %get3A_342 = arith.constant 0 : index
      %get3A_343 = vector.load %arg1[%get3A_341, %get3A_342] : memref<129x256xf32, #tpu.memory_space<vmem>>, vector<1x256xf32>
      %broadcast_in_dim3A_344 = vector.shape_cast %get3A_343 : vector<1x256xf32> to vector<1x256xf32>
      %broadcast_in_dim3A_345 = vector.broadcast %broadcast_in_dim3A_344 : vector<1x256xf32> to vector<440x256xf32>
      %swap3A_346 = arith.constant 7 : index
      %swap3A_347 = arith.constant 0 : index
      %swap3A_348 = arith.constant 0 : index
      %swap3A_349 = vector.load %arg3[%swap3A_346, %swap3A_347, %swap3A_348] : memref<8x1016x256xf32, #tpu.memory_space<vmem>>, vector<1x440x256xf32>
      %swap3A_350 = vector.shape_cast %swap3A_349 : vector<1x440x256xf32> to vector<440x256xf32>
      %swap3A_351 = vector.shape_cast %broadcast_in_dim3A_345 : vector<440x256xf32> to vector<1x440x256xf32>
      tpu.vector_store %arg3[%swap3A_346, %swap3A_347, %swap3A_348], %swap3A_351 {strides = array<i32>} : memref<8x1016x256xf32, #tpu.memory_space<vmem>>, vector<1x440x256xf32>,
      %get3A_352 = arith.constant 0 : index
      %get3A_353 = arith.constant 0 : index
      %get3A_354 = vector.load %arg1[%get3A_352, %get3A_353] : memref<129x256xf32, #tpu.memory_space<vmem>>, vector<129x256xf32>
      %swap3A_355 = arith.constant 7 : index
      %swap3A_356 = arith.constant 440 : index
      %swap3A_357 = arith.constant 0 : index
      %swap3A_358 = vector.load %arg3[%swap3A_355, %swap3A_356, %swap3A_357] : memref<8x1016x256xf32, #tpu.memory_space<vmem>>, vector<1x129x256xf32>
      %swap3A_359 = vector.shape_cast %swap3A_358 : vector<1x129x256xf32> to vector<129x256xf32>
      %swap3A_360 = vector.shape_cast %get3A_354 : vector<129x256xf32> to vector<1x129x256xf32>
      tpu.vector_store %arg3[%swap3A_355, %swap3A_356, %swap3A_357], %swap3A_360 {strides = array<i32>} : memref<8x1016x256xf32, #tpu.memory_space<vmem>>, vector<1x129x256xf32>,
      %get3A_361 = arith.constant 128 : index
      %get3A_362 = arith.constant 0 : index
      %get3A_363 = vector.load %arg1[%get3A_361, %get3A_362] : memref<129x256xf32, #tpu.memory_space<vmem>>, vector<1x256xf32>
      %broadcast_in_dim3A_364 = vector.shape_cast %get3A_363 : vector<1x256xf32> to vector<1x256xf32>
      %broadcast_in_dim3A_365 = vector.broadcast %broadcast_in_dim3A_364 : vector<1x256xf32> to vector<447x256xf32>
      %swap3A_366 = arith.constant 7 : index
      %swap3A_367 = arith.constant 569 : index
      %swap3A_368 = arith.constant 0 : index
      %swap3A_369 = vector.load %arg3[%swap3A_366, %swap3A_367, %swap3A_368] : memref<8x1016x256xf32, #tpu.memory_space<vmem>>, vector<1x447x256xf32>
      %swap3A_370 = vector.shape_cast %swap3A_369 : vector<1x447x256xf32> to vector<447x256xf32>
      %swap3A_371 = vector.shape_cast %broadcast_in_dim3A_365 : vector<447x256xf32> to vector<1x447x256xf32>
      tpu.vector_store %arg3[%swap3A_366, %swap3A_367, %swap3A_368], %swap3A_371 {strides = array<i32>} : memref<8x1016x256xf32, #tpu.memory_space<vmem>>, vector<1x447x256xf32>,
    } else {
    }
    %mul3A = arith.constant 8 : i32
    %mul3A_2 = arith.muli %arg0, %mul3A : i32
    %sub3A = arith.constant 504 : i32
    %sub3A_3 = arith.subi %sub3A, %mul3A_2 : i32
    %multiple_of3A = tpu.assume_multiple %sub3A_3, 8 : i32
    %get3A = arith.constant 7 : index
    %get3A_4 = arith.index_cast %multiple_of3A : i32 to index
    %get3A_5 = arith.constant 0 : index
    %get3A_6 = vector.load %arg3[%get3A, %get3A_4, %get3A_5] : memref<8x1016x256xf32, #tpu.memory_space<vmem>>, vector<1x512x256xf32>
    %get3A_7 = vector.shape_cast %get3A_6 : vector<1x512x256xf32> to vector<512x256xf32>
    %swap3A = arith.constant 0 : index
    %swap3A_8 = arith.constant 0 : index
    %swap3A_9 = arith.constant 0 : index
    %swap3A_10 = vector.load %arg2[%swap3A, %swap3A_8, %swap3A_9] : memref<8x512x256xf32, #tpu.memory_space<vmem>>, vector<1x512x256xf32>
    %swap3A_11 = vector.shape_cast %swap3A_10 : vector<1x512x256xf32> to vector<512x256xf32>
    %swap3A_12 = vector.shape_cast %get3A_7 : vector<512x256xf32> to vector<1x512x256xf32>
    tpu.vector_store %arg2[%swap3A, %swap3A_8, %swap3A_9], %swap3A_12 {strides = array<i32>} : memref<8x512x256xf32, #tpu.memory_space<vmem>>, vector<1x512x256xf32>,
    %mul3A_13 = arith.constant 8 : i32
    %mul3A_14 = arith.muli %arg0, %mul3A_13 : i32
    %sub3A_15 = arith.constant 504 : i32
    %sub3A_16 = arith.subi %sub3A_15, %mul3A_14 : i32
    %multiple_of3A_17 = tpu.assume_multiple %sub3A_16, 8 : i32
    %get3A_18 = arith.constant 6 : index
    %get3A_19 = arith.index_cast %multiple_of3A_17 : i32 to index
    %get3A_20 = arith.constant 0 : index
    %get3A_21 = vector.load %arg3[%get3A_18, %get3A_19, %get3A_20] : memref<8x1016x256xf32, #tpu.memory_space<vmem>>, vector<1x512x256xf32>
    %get3A_22 = vector.shape_cast %get3A_21 : vector<1x512x256xf32> to vector<512x256xf32>
    %swap3A_23 = arith.constant 1 : index
    %swap3A_24 = arith.constant 0 : index
    %swap3A_25 = arith.constant 0 : index
    %swap3A_26 = vector.load %arg2[%swap3A_23, %swap3A_24, %swap3A_25] : memref<8x512x256xf32, #tpu.memory_space<vmem>>, vector<1x512x256xf32>
    %swap3A_27 = vector.shape_cast %swap3A_26 : vector<1x512x256xf32> to vector<512x256xf32>
    %swap3A_28 = vector.shape_cast %get3A_22 : vector<512x256xf32> to vector<1x512x256xf32>
    tpu.vector_store %arg2[%swap3A_23, %swap3A_24, %swap3A_25], %swap3A_28 {strides = array<i32>} : memref<8x512x256xf32, #tpu.memory_space<vmem>>, vector<1x512x256xf32>,
    %mul3A_29 = arith.constant 8 : i32
    %mul3A_30 = arith.muli %arg0, %mul3A_29 : i32
    %sub3A_31 = arith.constant 504 : i32
    %sub3A_32 = arith.subi %sub3A_31, %mul3A_30 : i32
    %multiple_of3A_33 = tpu.assume_multiple %sub3A_32, 8 : i32
    %get3A_34 = arith.constant 5 : index
    %get3A_35 = arith.index_cast %multiple_of3A_33 : i32 to index
    %get3A_36 = arith.constant 0 : index
    %get3A_37 = vector.load %arg3[%get3A_34, %get3A_35, %get3A_36] : memref<8x1016x256xf32, #tpu.memory_space<vmem>>, vector<1x512x256xf32>
    %get3A_38 = vector.shape_cast %get3A_37 : vector<1x512x256xf32> to vector<512x256xf32>
    %swap3A_39 = arith.constant 2 : index
    %swap3A_40 = arith.constant 0 : index
    %swap3A_41 = arith.constant 0 : index
    %swap3A_42 = vector.load %arg2[%swap3A_39, %swap3A_40, %swap3A_41] : memref<8x512x256xf32, #tpu.memory_space<vmem>>, vector<1x512x256xf32>
    %swap3A_43 = vector.shape_cast %swap3A_42 : vector<1x512x256xf32> to vector<512x256xf32>
    %swap3A_44 = vector.shape_cast %get3A_38 : vector<512x256xf32> to vector<1x512x256xf32>
    tpu.vector_store %arg2[%swap3A_39, %swap3A_40, %swap3A_41], %swap3A_44 {strides = array<i32>} : memref<8x512x256xf32, #tpu.memory_space<vmem>>, vector<1x512x256xf32>,
    %mul3A_45 = arith.constant 8 : i32
    %mul3A_46 = arith.muli %arg0, %mul3A_45 : i32
    %sub3A_47 = arith.constant 504 : i32
    %sub3A_48 = arith.subi %sub3A_47, %mul3A_46 : i32
    %multiple_of3A_49 = tpu.assume_multiple %sub3A_48, 8 : i32
    %get3A_50 = arith.constant 4 : index
    %get3A_51 = arith.index_cast %multiple_of3A_49 : i32 to index
    %get3A_52 = arith.constant 0 : index
    %get3A_53 = vector.load %arg3[%get3A_50, %get3A_51, %get3A_52] : memref<8x1016x256xf32, #tpu.memory_space<vmem>>, vector<1x512x256xf32>
    %get3A_54 = vector.shape_cast %get3A_53 : vector<1x512x256xf32> to vector<512x256xf32>
    %swap3A_55 = arith.constant 3 : index
    %swap3A_56 = arith.constant 0 : index
    %swap3A_57 = arith.constant 0 : index
    %swap3A_58 = vector.load %arg2[%swap3A_55, %swap3A_56, %swap3A_57] : memref<8x512x256xf32, #tpu.memory_space<vmem>>, vector<1x512x256xf32>
    %swap3A_59 = vector.shape_cast %swap3A_58 : vector<1x512x256xf32> to vector<512x256xf32>
    %swap3A_60 = vector.shape_cast %get3A_54 : vector<512x256xf32> to vector<1x512x256xf32>
    tpu.vector_store %arg2[%swap3A_55, %swap3A_56, %swap3A_57], %swap3A_60 {strides = array<i32>} : memref<8x512x256xf32, #tpu.memory_space<vmem>>, vector<1x512x256xf32>,
    %mul3A_61 = arith.constant 8 : i32
    %mul3A_62 = arith.muli %arg0, %mul3A_61 : i32
    %sub3A_63 = arith.constant 504 : i32
    %sub3A_64 = arith.subi %sub3A_63, %mul3A_62 : i32
    %multiple_of3A_65 = tpu.assume_multiple %sub3A_64, 8 : i32
    %get3A_66 = arith.constant 3 : index
    %get3A_67 = arith.index_cast %multiple_of3A_65 : i32 to index
    %get3A_68 = arith.constant 0 : index
    %get3A_69 = vector.load %arg3[%get3A_66, %get3A_67, %get3A_68] : memref<8x1016x256xf32, #tpu.memory_space<vmem>>, vector<1x512x256xf32>
    %get3A_70 = vector.shape_cast %get3A_69 : vector<1x512x256xf32> to vector<512x256xf32>
    %swap3A_71 = arith.constant 4 : index
    %swap3A_72 = arith.constant 0 : index
    %swap3A_73 = arith.constant 0 : index
    %swap3A_74 = vector.load %arg2[%swap3A_71, %swap3A_72, %swap3A_73] : memref<8x512x256xf32, #tpu.memory_space<vmem>>, vector<1x512x256xf32>
    %swap3A_75 = vector.shape_cast %swap3A_74 : vector<1x512x256xf32> to vector<512x256xf32>
    %swap3A_76 = vector.shape_cast %get3A_70 : vector<512x256xf32> to vector<1x512x256xf32>
    tpu.vector_store %arg2[%swap3A_71, %swap3A_72, %swap3A_73], %swap3A_76 {strides = array<i32>} : memref<8x512x256xf32, #tpu.memory_space<vmem>>, vector<1x512x256xf32>,
    %mul3A_77 = arith.constant 8 : i32
    %mul3A_78 = arith.muli %arg0, %mul3A_77 : i32
    %sub3A_79 = arith.constant 504 : i32
    %sub3A_80 = arith.subi %sub3A_79, %mul3A_78 : i32
    %multiple_of3A_81 = tpu.assume_multiple %sub3A_80, 8 : i32
    %get3A_82 = arith.constant 2 : index
    %get3A_83 = arith.index_cast %multiple_of3A_81 : i32 to index
    %get3A_84 = arith.constant 0 : index
    %get3A_85 = vector.load %arg3[%get3A_82, %get3A_83, %get3A_84] : memref<8x1016x256xf32, #tpu.memory_space<vmem>>, vector<1x512x256xf32>
    %get3A_86 = vector.shape_cast %get3A_85 : vector<1x512x256xf32> to vector<512x256xf32>
    %swap3A_87 = arith.constant 5 : index
    %swap3A_88 = arith.constant 0 : index
    %swap3A_89 = arith.constant 0 : index
    %swap3A_90 = vector.load %arg2[%swap3A_87, %swap3A_88, %swap3A_89] : memref<8x512x256xf32, #tpu.memory_space<vmem>>, vector<1x512x256xf32>
    %swap3A_91 = vector.shape_cast %swap3A_90 : vector<1x512x256xf32> to vector<512x256xf32>
    %swap3A_92 = vector.shape_cast %get3A_86 : vector<512x256xf32> to vector<1x512x256xf32>
    tpu.vector_store %arg2[%swap3A_87, %swap3A_88, %swap3A_89], %swap3A_92 {strides = array<i32>} : memref<8x512x256xf32, #tpu.memory_space<vmem>>, vector<1x512x256xf32>,
    %mul3A_93 = arith.constant 8 : i32
    %mul3A_94 = arith.muli %arg0, %mul3A_93 : i32
    %sub3A_95 = arith.constant 504 : i32
    %sub3A_96 = arith.subi %sub3A_95, %mul3A_94 : i32
    %multiple_of3A_97 = tpu.assume_multiple %sub3A_96, 8 : i32
    %get3A_98 = arith.constant 1 : index
    %get3A_99 = arith.index_cast %multiple_of3A_97 : i32 to index
    %get3A_100 = arith.constant 0 : index
    %get3A_101 = vector.load %arg3[%get3A_98, %get3A_99, %get3A_100] : memref<8x1016x256xf32, #tpu.memory_space<vmem>>, vector<1x512x256xf32>
    %get3A_102 = vector.shape_cast %get3A_101 : vector<1x512x256xf32> to vector<512x256xf32>
    %swap3A_103 = arith.constant 6 : index
    %swap3A_104 = arith.constant 0 : index
    %swap3A_105 = arith.constant 0 : index
    %swap3A_106 = vector.load %arg2[%swap3A_103, %swap3A_104, %swap3A_105] : memref<8x512x256xf32, #tpu.memory_space<vmem>>, vector<1x512x256xf32>
    %swap3A_107 = vector.shape_cast %swap3A_106 : vector<1x512x256xf32> to vector<512x256xf32>
    %swap3A_108 = vector.shape_cast %get3A_102 : vector<512x256xf32> to vector<1x512x256xf32>
    tpu.vector_store %arg2[%swap3A_103, %swap3A_104, %swap3A_105], %swap3A_108 {strides = array<i32>} : memref<8x512x256xf32, #tpu.memory_space<vmem>>, vector<1x512x256xf32>,
    %mul3A_109 = arith.constant 8 : i32
    %mul3A_110 = arith.muli %arg0, %mul3A_109 : i32
    %sub3A_111 = arith.constant 504 : i32
    %sub3A_112 = arith.subi %sub3A_111, %mul3A_110 : i32
    %multiple_of3A_113 = tpu.assume_multiple %sub3A_112, 8 : i32
    %get3A_114 = arith.constant 0 : index
    %get3A_115 = arith.index_cast %multiple_of3A_113 : i32 to index
    %get3A_116 = arith.constant 0 : index
    %get3A_117 = vector.load %arg3[%get3A_114, %get3A_115, %get3A_116] : memref<8x1016x256xf32, #tpu.memory_space<vmem>>, vector<1x512x256xf32>
    %get3A_118 = vector.shape_cast %get3A_117 : vector<1x512x256xf32> to vector<512x256xf32>
    %swap3A_119 = arith.constant 7 : index
    %swap3A_120 = arith.constant 0 : index
    %swap3A_121 = arith.constant 0 : index
    %swap3A_122 = vector.load %arg2[%swap3A_119, %swap3A_120, %swap3A_121] : memref<8x512x256xf32, #tpu.memory_space<vmem>>, vector<1x512x256xf32>
    %swap3A_123 = vector.shape_cast %swap3A_122 : vector<1x512x256xf32> to vector<512x256xf32>
    %swap3A_124 = vector.shape_cast %get3A_118 : vector<512x256xf32> to vector<1x512x256xf32>
    tpu.vector_store %arg2[%swap3A_119, %swap3A_120, %swap3A_121], %swap3A_124 {strides = array<i32>} : memref<8x512x256xf32, #tpu.memory_space<vmem>>, vector<1x512x256xf32>,
    return
  }
  func.func @transform_0(%arg0: i32) -> (i32, i32) {
    %c0_i32 = arith.constant 0 : i32
    %c0_i32_0 = arith.constant 0 : i32
    %c0_i32_1 = arith.constant 0 : i32
    return %c0_i32, %c0_i32_0 : i32, i32
  }
  func.func @transform_1(%arg0: i32) -> (i32, i32, i32) {
    %c0_i32 = arith.constant 0 : i32
    %c0_i32_0 = arith.constant 0 : i32
    %c0_i32_1 = arith.constant 0 : i32
    return %arg0, %c0_i32, %c0_i32_0 : i32, i32, i32
  }
}

</mosaic_0001>

<sc_bundles>
// kernel: kernel.5.cloned.1.call-start
scs
__scs_entry_jumppad:
0x0: {  	(pc) =	sbr.rel $0x88, $3  }
0x1: {  	(tag) =	ssettag $0x0;
	lr =	simm.s32 $0x1  }
0x2: {  	[smem:$0x3F9F] =	sst lr;
	_ =	strace $0xD0000000  }
0x3: {  	_ = 	snop  }
0x4: {  	_ = 	snop  }
0x5: {  	_ = 	snop  }
0x6: {  	_ = 	snop  }
0x7: {  	_ = 	snop  }
__scs_overlays_trampoline_lowered:
0x8: {  	[smem:$0x3FAE] =	sst s0  }
0x9: {  	[smem:$0x3FAF] =	sst s1  }
0xa: {  	[smem:$0x3FB0] =	sst s2  }
0xb: {  	[smem:$0x3FB1] =	sst s3  }
0xc: {  	[smem:$0x3FB2] =	sst s4  }
0xd: {  	[smem:$0x3FB3] =	sst s5  }
0xe: {  	[smem:$0x3FB4] =	sst s6  }
0xf: {  	[smem:$0x3FB5] =	sst s7  }
0x10: {  	[smem:$0x3FB6] =	sst s8  }
0x11: {  	[smem:$0x3FB7] =	sst s9;
	s0 =	simm.s32 @!p0 $0x0  }
0x12: {  	s1 =	sld [smem:$0x3F9D];
	s0 =	simm.s32 @p0 $0x1  }
0x13: {  	[smem:$0x3FB8] =	sst s0;
	s0 =	simm.s32 @!p1 $0x0  }
0x14: {  	s2 =	sld [smem:$0x3F9C];
	s0 =	simm.s32 @p1 $0x1  }
0x15: {  	[smem:$0x3FB9] =	sst s0;
	s0 =	simm.s32 @!p2 $0x0  }
0x16: {  	s3 =	sld [smem:$0x3FDB];
	s0 =	simm.s32 @p2 $0x1  }
0x17: {  	s4 =	simm.s32 $0x1BF5;
	[smem:$0x3FBB] =	sst s0  }
0x18: {  	s0 =	sld [smem:$0x3F9E];
	_ =	swait.ge [sflag:s4], $0x0  }
0x19: {  	s7 =	sld [smem:$0x3F9F]  }
0x1a: {  	s8 =	sadd.s32 $0xFFFFE003, lr  }
0x1b: {  	s9 =	sadd.s32 $0xFFFFFEF7, lr;
	s5 =	simm.s32 $0xFFFFFFFF;
	p2 =	slt.u32 s8, $0xFFFFF086  }
0x1c: {  	p1 =	slt.u32 s9, $0xF7A;
	s5 =	simm.s32 @!p2 $0x0  }
0x1d: {  	s5 =	simm.s32 @p1 $0x1;
	p0 =	seq.s32 s7, s2  }
0x1e: {  	s7 =	smul.u32 @!p0 $0xF7A, s2;
	p2 =	seq.s32 @!p0 s5, $0x0  }
0x1f: {  	s9 =	smul.u32 $0xF7A, s1;
	s8 =	simm.s32 @!p0 $0x1BF5;
	p2 =	por !p2, p0  }
0x20: {  	[sflag:s8] =	ssyncset.s32 @!p0 $0xFFFFF086;
	s6 =	sadd.s32 @!p0 s3, s7;
	s7 =	simm.s32 @!p0 $0x108  }
0x21: {  	s3 =	sadd.s32 s3, s9;
	s6 =	sadd.s32 @!p0 $0x88, s6;
	s7 =	simm.s32 @p2 $0x1082  }
0x22: {  	[simem:s7], [sflag:s8] =	dma.local @!p0 [hbm:s6], $0xF7A  }
0x23: {  	s9 =	sor.u32 $0xD0000000, s2;
	s6 =	simm.s32 $0x108;
	_ =	swait.ge @!p0 [sflag:s8], $0x0  }
0x24: {  	s3 =	sadd.s32 $0x88, s3;
	s6 =	simm.s32 @!p1 $0x1082;
	[sflag:s4] =	ssyncset.s32 $0xFFFFF086  }
0x25: {  	[simem:s6], [sflag:s4] =	dma.local [hbm:s3], $0xF7A  }
0x26: {  	[smem:$0x3F9F] =	sst s1;
	(tag) =	ssettag s2;
	_ =	strace s9  }
0x27: {  	s1 =	sld [smem:$0x3FAF]  }
0x28: {  	s2 =	sld [smem:$0x3FB0]  }
0x29: {  	s4 =	sld [smem:$0x3FB2]  }
0x2a: {  	p0 =	seq.s32 s5, $0x0;
	s5 =	sld [smem:$0x3FB3]  }
0x2b: {  	s6 =	sld [smem:$0x3FB4]  }
0x2c: {  	s7 =	sld [smem:$0x3FB5]  }
0x2d: {  	s3 =	simm.s32 $0x108;
	s8 =	sld [smem:$0x3FB6]  }
0x2e: {  	s3 =	simm.s32 @!p0 $0x1082;
	s9 =	sld [smem:$0x3FB7]  }
0x2f: {  	lr =	sadd.s32 s0, s3;
	s0 =	sld [smem:$0x3FAE]  }
0x30: {  	s3 =	sld [smem:$0x3FB1]  }
0x31: {  	[smem:$0x3FBA] =	sst s10  }
0x32: {  	s10 =	sld [smem:$0x3FB8];
	_ =	sdelay $0x3  }
0x33: {  	p0 =	seq.s32 s10, $0x1;
	s10 =	sld [smem:$0x3FBA];
	_ =	sdelay $0x3  }
0x34: {  	[smem:$0x3FBA] =	sst s10  }
0x35: {  	s10 =	sld [smem:$0x3FB9];
	_ =	sdelay $0x3  }
0x36: {  	p1 =	seq.s32 s10, $0x1;
	s10 =	sld [smem:$0x3FBA];
	_ =	sdelay $0x3  }
0x37: {  	[smem:$0x3FBA] =	sst s10  }
0x38: {  	s10 =	sld [smem:$0x3FBB]  }
0x39: {  	_ = 	snop;
	(pc) =	sbr.ind lr, $3  }
0x3a: {  	_ = 	snop  }
0x3b: {  	_ = 	snop  }
0x3c: {  	p2 =	seq.s32 s10, $0x1;
	s10 =	sld [smem:$0x3FBA]  }
0x3d: {  	_ =	shalt  }
0x3e: {  	_ =	shalt  }
0x3f: {  	_ =	shalt  }
0x40: {  	_ =	shalt  }
0x41: {  	_ =	shalt  }
0x42: {  	_ =	shalt  }
0x43: {  	_ =	shalt  }
0x44: {  	_ =	shalt  }
0x45: {  	_ =	shalt  }
0x46: {  	_ =	shalt  }
0x47: {  	_ =	shalt  }
0x48: {  	_ =	shalt  }
0x49: {  	_ =	shalt  }
0x4a: {  	_ =	shalt  }
0x4b: {  	_ =	shalt  }
0x4c: {  	_ =	shalt  }
0x4d: {  	_ =	shalt  }
0x4e: {  	_ =	shalt  }
0x4f: {  	_ =	shalt  }
0x50: {  	_ =	shalt  }
0x51: {  	_ =	shalt  }
0x52: {  	_ =	shalt  }
0x53: {  	_ =	shalt  }
0x54: {  	_ =	shalt  }
0x55: {  	_ =	shalt  }
0x56: {  	_ =	shalt  }
0x57: {  	_ =	shalt  }
0x58: {  	_ =	shalt  }
0x59: {  	_ =	shalt  }
0x5a: {  	_ =	shalt  }
0x5b: {  	_ =	shalt  }
0x5c: {  	_ =	shalt  }
0x5d: {  	_ =	shalt  }
0x5e: {  	_ =	shalt  }
0x5f: {  	_ =	shalt  }
0x60: {  	_ =	shalt  }
0x61: {  	_ =	shalt  }
0x62: {  	_ =	shalt  }
0x63: {  	_ =	shalt  }
0x64: {  	_ =	shalt  }
0x65: {  	_ =	shalt  }
0x66: {  	_ =	shalt  }
0x67: {  	_ =	shalt  }
0x68: {  	_ =	shalt  }
0x69: {  	_ =	shalt  }
0x6a: {  	_ =	shalt  }
0x6b: {  	_ =	shalt  }
0x6c: {  	_ =	shalt  }
0x6d: {  	_ =	shalt  }
0x6e: {  	_ =	shalt  }
0x6f: {  	_ =	shalt  }
0x70: {  	_ =	shalt  }
0x71: {  	_ =	shalt  }
0x72: {  	_ =	shalt  }
0x73: {  	_ =	shalt  }
0x74: {  	_ =	shalt  }
0x75: {  	_ =	shalt  }
0x76: {  	_ =	shalt  }
0x77: {  	_ =	shalt  }
0x78: {  	_ =	shalt  }
0x79: {  	_ =	shalt  }
0x7a: {  	_ =	shalt  }
0x7b: {  	_ =	shalt  }
0x7c: {  	_ =	shalt  }
0x7d: {  	_ =	shalt  }
0x7e: {  	_ =	shalt  }
0x7f: {  	_ =	shalt  }
0x80: {  	_ =	shalt  }
0x81: {  	_ =	shalt  }
0x82: {  	_ =	shalt  }
0x83: {  	_ =	shalt  }
0x84: {  	_ =	shalt  }
0x85: {  	_ =	shalt  }
0x86: {  	_ =	shalt  }
0x87: {  	_ =	shalt  }
.Lfunc_end0:
.L_simem_size_0:
called_computation_lowered:
.L_overlay_start_0:
0x88: {  	s2 =	sld [smem:$0x3FD9]  }
0x89: {  	s3 =	sld [smem:$0x3FFE];
	_ =	sdelay $0x1  }
0x8a: {  	s1 =	srdreg.scid  }
0x8b: {  	s0 =	sand.u32 $0x1, s1  }
0x8c: {  	s15 =	sshll.u32 s0, $0xA;
	s2 =	sadd.s32 s3, s2  }
0x8d: {  	s2 =	sadd.s32 s2, s15  }
0x8e: {  	[smem:$0x3FC6] =	sst s2  }
0x8f: {  	_ = 	snop  }
0x90: {  	s2 =	sld [smem:$0x3FD0];
	_ =	sdelay $0x2  }
0x91: {  	s4 =	simm.s32 $0xA;
	s5 =	simm.s32 $0x10;
	s16 =	sld [smem:$0x3FC8]  }
0x92: {  	[smem:s5], [sflag:s4] =	dma.local [hbm:s2], $0x1  }
0x93: {  	_ =	swait.eq [sflag:s4], $0x1  }
0x94: {  	[sflag:s4] =	ssyncset.done $0x0  }
0x95: {  	[sflag:s4] =	ssyncadd.s32 $0xFFFFFFFF  }
0x96: {  	s17 =	sld [smem:$0x11];
	(tm) =	ssettm $0x1  }
0x97: {  	s18 =	sld [smem:$0x3FFB];
	_ =	sdelay $0x3  }
0x98: {  	_ =	strace s18  }
0x99: {  	s4 =	sld [smem:$0x3FFC];
	_ =	sdelay $0x3  }
0x9a: {  	_ =	strace s4  }
0x9b: {  	s4 =	sld [smem:$0x3FFD];
	_ =	sdelay $0x3  }
0x9c: {  	_ =	strace s4  }
0x9d: {  	_ =	strace $0x8FFFFFFF  }
0x9e: {  	s19 =	sld [smem:$0x3FDB];
	_ =	sdelay $0x1  }
0x9f: {  	s20 =	simm.s32 $_scs_section_size  }
0xa0: {  	s6 =	simm.s32 $_size__tile_overlayer_lowered;
	s7 =	simm.s32 $_tile_overlayer_lowered  }
0xa1: {  	s23 =	simm.s32 $0x1BFF;
	s22 =	sshll.u32 s7, $0x1;
	s4 =	sadd.s32 s20, s19  }
0xa2: {  	s8 =	simm.s32 $0x0;
	s21 =	sshll.u32 s6, $0x1;
	s6 =	sadd.s32 s22, s4  }
0xa3: {  	[timem:s8], [sflag:s23] =	dma.local [hbm:s6], s21  }
0xa4: {  	_ =	swait.ge [sflag:s23], s21  }
0xa5: {  	s5 =	ssub.s32 $0x0, s21;
	[sflag:s23] =	ssyncset.done $0x0  }
0xa6: {  	[sflag:s23] =	ssyncadd.s32 s5;
	_ =	sdelay $0x1  }
0xa7: {  	s24 =	simm.s32 $0x1B8B  }
0xa8: {  	_ =	swait.ge [sflag:s24], $0x1  }
0xa9: {  	[sflag:s24] =	ssyncset.done $0x0  }
0xaa: {  	s25 =	simm.s32 $0x1B8E;
	[sflag:s24] =	ssyncadd.s32 $0xFFFFFFFF  }
0xab: {  	s26 =	simm.s32 $execute0_lowered;
	[smem:$0x3FD2] =	sst s25  }
0xac: {  	s5 =	sshll.u32 s26, $0x1;
	_ =	strace $0x80000046;
	[dreg:$0x1] =	wrdreg $0xFFFFFFFF  }
0xad: {  	s28 =	simm.s32 $_size_execute0_lowered;
	s4 =	sadd.s32 s4, s5;
	[dreg:$0x0] =	wrdreg $0x0  }
0xae: {  	s5 =	sshll.u32 s28, $0x1;
	[dreg:$0x2] =	wrdreg s4  }
0xaf: {  	[dreg:$0x3] =	wrdreg s5  }
0xb0: {  	[dreg:$0x4] =	wrdreg $0xC0  }
0xb1: {  	_ =	task [dreg:s8], $0x5FFFF  }
0xb2: {  	[dreg:$0x1] =	wrdreg $0xFFFFFFFF  }
0xb3: {  	[dreg:$0x0] =	wrdreg $0x60  }
0xb4: {  	[dreg:$0x2] =	wrdreg s16  }
0xb5: {  	[dreg:$0x3] =	wrdreg s17  }
0xb6: {  	[dreg:$0x4] =	wrdreg $0xC8000  }
0xb7: {  	[dreg:$0x5] =	wrdreg $0x9  }
0xb8: {  	_ =	task.clear_ibuf [dreg:s8], $0x6FFFF;
	_ =	strace $0x90000046  }
0xb9: {  	s29 =	simm.s32 $0x9;
	_ =	strace $0x80000048  }
0xba: {  	_ =	swait.ge [sflag:s29], $0x1  }
0xbb: {  	[sflag:s29] =	ssyncadd.s32 $0xFFFFFFFF  }
0xbc: {  	_ =	strace $0x90000048  }
0xbd: {  	_ =	sfence  }
0xbe: {  	s30 =	sld [smem:$0x0];
	_ =	sdelay $0x2  }
0xbf: {  	s31 =	sshll.u32 s1, $0xD;
	s1 =	sshrl.u32 s1, $0x2  }
0xc0: {  	s3 =	sand.u32 $0x4000, s31;
	s1 =	sadd.s32 s1, s30  }
0xc1: {  	s0 =	sor.u32 s3, s0;
	s1 =	sshll.u32 s1, $0x11  }
0xc2: {  	s0 =	sor.u32 s1, s0  }
0xc3: {  	s0 =	sadd.s32 $0x8F2B, s0  }
0xc4: {  	[sflag:s0] =	ssyncadd.remote.s32 $0x1  }
0xc5: {  	_ =	sfence.sel $0xFFFF  }
0xc6: {  	[dreg:$0x0] =	wrdreg $0xFFFFFFFF;
	(pc) =	sbr.abs _section_cstart, $3  }
0xc7: {  	[dreg:$0x1] =	wrdreg $0xFFFFFFFF  }
0xc8: {  	_ =	task.clear_ibuf [dreg:s8], $0x2FFFF;
	_ =	strace $0x9FFFFFFF  }
0xc9: {  	(tm) =	ssettm $0x7FFFFFFF  }
tec
execute0_lowered:
.L_overlay_start_1:
0x0: {  	(tag) =	ssettag $0x1  }
0x1: {  	s1 =	rddreg [dreg:$0x0]  }
0x2: {  	s0 =	rddreg [dreg:$0x1]  }
0x3: {  	s11 =	rddreg [dreg:$0x2]  }
0x4: {  	s4 =	srdreg.scid;
	s2 =	stileid.u32  }
0x5: {  	s3 =	simm.s32 $0x0;
	s19 =	simm.s32 $0x2;
	s20 =	simm.s32 $0x8800  }
0x6: {  	s24 =	simm.s32 $0x1;
	s7 =	sand.u32 $0x1, s4;
	s4 =	sshll.u32 s2, $0x6  }
0x7: {  	[smem:$0x7FF] =	sst s3;
	s25 =	sshll.u32 s2, $0x14;
	s28 =	sshll.u32 s2, $0xB  }
0x8: {  	s5 =	ssub.s32 $0x2, s7;
	s8 =	smin.u32 s4, $0x3B8;
	_ =	strace $0x80000047  }
0x9: {  	s10 =	sshll.u32 s7, $0x2;
	s12 =	sshll.u32 s7, $0x13;
	s6 =	sshrl.u32 s5, $0x1  }
0xa: {  	s9 =	sshll.u32 s8, $0x8;
	s18 =	sor.u32 s10, s8;
	s13 =	sor.u32 s12, s25  }
0xb: {  	s25 =	simm.s32 $0x0;
	s15 =	ssub.s32 s5, s6;
	s5 =	sadd.s32 s9, s11  }
0xc: {  	s8 =	sadd.s32 $0xFFFFFE44, s18;
	s26 =	sxor.u32 $0x3FE0000, s13;
	s14 =	sxor.u32 $0x3FC0000, s13  }
0xd: {  	s11 =	sadd.s32 s28, s11;
	s30 =	sxor.u32 $0x3FA0000, s13;
	s13 =	sxor.u32 $0x3F80000, s13  }
0xe: {  	s17 =	sadd.s32 $0xFFFFFE42, s18;
	s6 =	sadd.s32 $0x3F800, s5;
	s7 =	sadd.s32 $0x7F000, s5  }
0xf: {  	s9 =	sadd.s32 $0xBE800, s5;
	s10 =	sshrl.u32 s26, $0x3;
	s29 =	sshrl.u32 s14, $0x3  }
0x10: {  	s21 =	sadd.s32 $0x3F800, s11;
	s14 =	sshrl.u32 s30, $0x3;
	s16 =	sshrl.u32 s13, $0x3  }
0x11: {  	s22 =	sadd.s32 $0x7F000, s11;
	s31 =	sadd.s32 $0xBE800, s11;
	s15 =	smax.u32 s15, $0x1  }
0x12: {  	s10 =	sadd.s32 s0, s10;
	s12 =	sadd.s32 s0, s29;
	s13 =	sadd.s32 s0, s14  }
0x13: {  	s14 =	sadd.s32 s0, s16;
	s16 =	sadd.s32 $0xFFFFFE41, s18;
	s18 =	sadd.s32 $0xFFFFFE43, s18  }
0x14: {  	s21 =	sshrl.u32 s21, $0x3;
	s22 =	sshrl.u32 s22, $0x3;
	s23 =	sshrl.u32 s31, $0x3  }
.LBB2_1:
0x15: {  	[tilespmem:s3], [sflag:$0x2] =	stream.linear.gather [hbm4b:s1+s3], $0x8800, $0x38;
	[tilespmem:$0x1C600] =	vst v63  }
0x16: {  	p0 =	sgt.s32 s16, $0x0;
	s0 =	smov.u32 s16  }
0x17: {  	s0 =	simm.s32 @!p0 $0x0  }
0x18: {  	s0 =	smin.u32 s0, $0x80  }
0x19: {  	_ =	swait.ge [sflag:s19], $0x8800;
	s26 =	sshll.u32 s0, $0x8;
	s0 =	sshll.u32 s0, $0x7  }
0x1a: {  	[sflag:s19] =	ssyncset.done $0x0;
	s26 =	sand.u32 $0xF800, s26;
	s0 =	sand.u32 $0x380, s0  }
0x1b: {  	[sflag:s19] =	ssyncadd.s32 $0xFFFF7800;
	s0 =	sor.u32 s0, s26  }
0x1c: {  	v0 =	vld [tilespmem:s0+$0x0];
	_ =	sdelay $0x2  }
0x1d: {  	s2 =	sand.u32 $0x3800, s3;
	s28 =	sand.u32 $0x380, s3  }
0x1e: {  	s26 =	sor.u32 s28, s2  }
0x1f: {  	[tilespmem:s26+$0x8800] =	vst v0  }
0x20: {  	v0 =	vld [tilespmem:s0+$0x10];
	_ =	sdelay $0x4  }
0x21: {  	[tilespmem:s26+$0x8810] =	vst v0  }
0x22: {  	v0 =	vld [tilespmem:s0+$0x20];
	_ =	sdelay $0x4  }
0x23: {  	[tilespmem:s26+$0x8820] =	vst v0  }
0x24: {  	v0 =	vld [tilespmem:s0+$0x30];
	_ =	sdelay $0x4  }
0x25: {  	[tilespmem:s26+$0x8830] =	vst v0  }
0x26: {  	v0 =	vld [tilespmem:s0+$0x40];
	_ =	sdelay $0x4  }
0x27: {  	[tilespmem:s26+$0x8840] =	vst v0  }
0x28: {  	v0 =	vld [tilespmem:s0+$0x50];
	_ =	sdelay $0x4  }
0x29: {  	[tilespmem:s26+$0x8850] =	vst v0  }
0x2a: {  	v0 =	vld [tilespmem:s0+$0x60];
	_ =	sdelay $0x4  }
0x2b: {  	[tilespmem:s26+$0x8860] =	vst v0  }
0x2c: {  	v0 =	vld [tilespmem:s0+$0x70];
	_ =	sdelay $0x4  }
0x2d: {  	[tilespmem:s26+$0x8870] =	vst v0  }
0x2e: {  	v0 =	vld [tilespmem:s0+$0x400];
	_ =	sdelay $0x4  }
0x2f: {  	[tilespmem:s26+$0x8C00] =	vst v0  }
0x30: {  	v0 =	vld [tilespmem:s0+$0x410];
	_ =	sdelay $0x4  }
0x31: {  	[tilespmem:s26+$0x8C10] =	vst v0  }
0x32: {  	v0 =	vld [tilespmem:s0+$0x420];
	_ =	sdelay $0x4  }
0x33: {  	[tilespmem:s26+$0x8C20] =	vst v0  }
0x34: {  	v0 =	vld [tilespmem:s0+$0x430];
	_ =	sdelay $0x4  }
0x35: {  	[tilespmem:s26+$0x8C30] =	vst v0  }
0x36: {  	v0 =	vld [tilespmem:s0+$0x440];
	_ =	sdelay $0x4  }
0x37: {  	[tilespmem:s26+$0x8C40] =	vst v0  }
0x38: {  	v0 =	vld [tilespmem:s0+$0x450];
	_ =	sdelay $0x4  }
0x39: {  	[tilespmem:s26+$0x8C50] =	vst v0  }
0x3a: {  	v0 =	vld [tilespmem:s0+$0x460];
	_ =	sdelay $0x4  }
0x3b: {  	s30 =	sadd.s32 $0x1, s16;
	s31 =	simm.s32 $0x200;
	[tilespmem:s26+$0x8C60] =	vst v0  }
0x3c: {  	s29 =	simm.s32 $0x0;
	p1 =	sgt.s32 s30, $0x0;
	s28 =	simm.s32 $0x100;
	v0 =	vld [tilespmem:s0+$0x470]  }
.LBB2_2:
0x3d: {  	s0 =	smov.u32 s30  }
0x3e: {  	p0 =	sne.s32 s31, $0x3F00;
	s0 =	simm.s32 @!p1 $0x0  }
0x3f: {  	s0 =	smin.u32 s0, $0x80  }
0x40: {  	s2 =	sshll.u32 s0, $0x8;
	s0 =	sshll.u32 s0, $0x7  }
0x41: {  	s2 =	sand.u32 $0xF800, s2;
	s0 =	sand.u32 $0x380, s0  }
0x42: {  	s0 =	sor.u32 s0, s2;
	[tilespmem:s26+$0x8C70] =	vst v0  }
0x43: {  	v0 =	vld [tilespmem:s0+$0x0];
	_ =	sdelay $0x1  }
0x44: {  	s29 =	sadd.s32 $0x80, s29  }
0x45: {  	s2 =	sand.u32 $0x3800, s28;
	s26 =	sand.u32 $0x380, s29;
	s28 =	smov.u32 s31  }
0x46: {  	s26 =	sor.u32 s26, s2  }
0x47: {  	[tilespmem:s26+$0x8800] =	vst v0  }
0x48: {  	v0 =	vld [tilespmem:s0+$0x10];
	_ =	sdelay $0x4  }
0x49: {  	[tilespmem:s26+$0x8810] =	vst v0  }
0x4a: {  	v0 =	vld [tilespmem:s0+$0x20];
	_ =	sdelay $0x4  }
0x4b: {  	[tilespmem:s26+$0x8820] =	vst v0  }
0x4c: {  	v0 =	vld [tilespmem:s0+$0x30];
	_ =	sdelay $0x4  }
0x4d: {  	[tilespmem:s26+$0x8830] =	vst v0  }
0x4e: {  	v0 =	vld [tilespmem:s0+$0x40];
	_ =	sdelay $0x4  }
0x4f: {  	[tilespmem:s26+$0x8840] =	vst v0  }
0x50: {  	v0 =	vld [tilespmem:s0+$0x50];
	_ =	sdelay $0x4  }
0x51: {  	[tilespmem:s26+$0x8850] =	vst v0  }
0x52: {  	v0 =	vld [tilespmem:s0+$0x60];
	_ =	sdelay $0x4  }
0x53: {  	[tilespmem:s26+$0x8860] =	vst v0  }
0x54: {  	v0 =	vld [tilespmem:s0+$0x70];
	_ =	sdelay $0x4  }
0x55: {  	[tilespmem:s26+$0x8870] =	vst v0  }
0x56: {  	v0 =	vld [tilespmem:s0+$0x400];
	_ =	sdelay $0x4  }
0x57: {  	[tilespmem:s26+$0x8C00] =	vst v0  }
0x58: {  	v0 =	vld [tilespmem:s0+$0x410];
	_ =	sdelay $0x4  }
0x59: {  	[tilespmem:s26+$0x8C10] =	vst v0  }
0x5a: {  	v0 =	vld [tilespmem:s0+$0x420];
	_ =	sdelay $0x4  }
0x5b: {  	[tilespmem:s26+$0x8C20] =	vst v0  }
0x5c: {  	v0 =	vld [tilespmem:s0+$0x430];
	_ =	sdelay $0x4  }
0x5d: {  	[tilespmem:s26+$0x8C30] =	vst v0  }
0x5e: {  	v0 =	vld [tilespmem:s0+$0x440];
	_ =	sdelay $0x4  }
0x5f: {  	[tilespmem:s26+$0x8C40] =	vst v0  }
0x60: {  	v0 =	vld [tilespmem:s0+$0x450];
	_ =	sdelay $0x4  }
0x61: {  	[tilespmem:s26+$0x8C50] =	vst v0  }
0x62: {  	v0 =	vld [tilespmem:s0+$0x460];
	_ =	sdelay $0x1  }
.Ltmp0:
0x63: {  	(pc) =	sbr.rel @p0 .LBB2_2-.Ltmp0, $3  }
0x64: {  	_ =	sdelay $0x1  }
0x65: {  	s30 =	sadd.s32 $0x1, s30;
	[tilespmem:s26+$0x8C60] =	vst v0  }
0x66: {  	p1 =	sgt.s32 s30, $0x0;
	s31 =	sadd.s32 $0x100, s31;
	v0 =	vld [tilespmem:s0+$0x470]  }
0x67: {  	s30 =	simm.s32 @!p1 $0x0  }
0x68: {  	s0 =	smin.u32 s30, $0x80  }
0x69: {  	s2 =	sshll.u32 s0, $0x8;
	s0 =	sshll.u32 s0, $0x7  }
0x6a: {  	s2 =	sand.u32 $0xF800, s2;
	s0 =	sand.u32 $0x380, s0  }
0x6b: {  	s0 =	sor.u32 s0, s2;
	[tilespmem:s26+$0x8C70] =	vst v0  }
0x6c: {  	v0 =	vld [tilespmem:s0+$0x0];
	_ =	sdelay $0x1  }
0x6d: {  	s2 =	sadd.s32 $0x80, s29  }
0x6e: {  	s26 =	sand.u32 $0x3800, s28;
	s2 =	sand.u32 $0x380, s2  }
0x6f: {  	s2 =	sor.u32 s2, s26  }
0x70: {  	[tilespmem:s2+$0x8800] =	vst v0  }
0x71: {  	v0 =	vld [tilespmem:s0+$0x10];
	_ =	sdelay $0x4  }
0x72: {  	[tilespmem:s2+$0x8810] =	vst v0  }
0x73: {  	v0 =	vld [tilespmem:s0+$0x20];
	_ =	sdelay $0x4  }
0x74: {  	[tilespmem:s2+$0x8820] =	vst v0  }
0x75: {  	v0 =	vld [tilespmem:s0+$0x30];
	_ =	sdelay $0x4  }
0x76: {  	[tilespmem:s2+$0x8830] =	vst v0  }
0x77: {  	v0 =	vld [tilespmem:s0+$0x40];
	_ =	sdelay $0x4  }
0x78: {  	[tilespmem:s2+$0x8840] =	vst v0  }
0x79: {  	v0 =	vld [tilespmem:s0+$0x50];
	_ =	sdelay $0x4  }
0x7a: {  	[tilespmem:s2+$0x8850] =	vst v0  }
0x7b: {  	v0 =	vld [tilespmem:s0+$0x60];
	_ =	sdelay $0x4  }
0x7c: {  	[tilespmem:s2+$0x8860] =	vst v0  }
0x7d: {  	v0 =	vld [tilespmem:s0+$0x70];
	_ =	sdelay $0x4  }
0x7e: {  	[tilespmem:s2+$0x8870] =	vst v0  }
0x7f: {  	v0 =	vld [tilespmem:s0+$0x400];
	_ =	sdelay $0x4  }
0x80: {  	[tilespmem:s2+$0x8C00] =	vst v0  }
0x81: {  	v0 =	vld [tilespmem:s0+$0x410];
	_ =	sdelay $0x4  }
0x82: {  	[tilespmem:s2+$0x8C10] =	vst v0  }
0x83: {  	v0 =	vld [tilespmem:s0+$0x420];
	_ =	sdelay $0x4  }
0x84: {  	[tilespmem:s2+$0x8C20] =	vst v0  }
0x85: {  	v0 =	vld [tilespmem:s0+$0x430];
	_ =	sdelay $0x4  }
0x86: {  	[tilespmem:s2+$0x8C30] =	vst v0  }
0x87: {  	v0 =	vld [tilespmem:s0+$0x440];
	_ =	sdelay $0x4  }
0x88: {  	[tilespmem:s2+$0x8C40] =	vst v0  }
0x89: {  	v0 =	vld [tilespmem:s0+$0x450];
	_ =	sdelay $0x4  }
0x8a: {  	[tilespmem:s2+$0x8C50] =	vst v0  }
0x8b: {  	v0 =	vld [tilespmem:s0+$0x460];
	_ =	sdelay $0x4  }
0x8c: {  	[tilespmem:s2+$0x8C60] =	vst v0  }
0x8d: {  	v0 =	vld [tilespmem:s0+$0x470];
	_ =	sdelay $0x2  }
0x8e: {  	p0 =	sgt.s32 s17, $0x0;
	s0 =	smov.u32 s17  }
0x8f: {  	s0 =	simm.s32 @!p0 $0x0  }
0x90: {  	s0 =	smin.u32 s0, $0x80;
	[tilespmem:s2+$0x8C70] =	vst v0  }
0x91: {  	[spmem:s5] =	stream.linear.scatter [tilespmem:s20], [sflag:$0x2], $0x4000, $0x38;
	[tilespmem:$0x1C600] =	vst v63  }
0x92: {  	s26 =	sshll.u32 s0, $0x8;
	s0 =	sshll.u32 s0, $0x7;
	_ =	swait.ge [sflag:s19], $0x4000  }
0x93: {  	s0 =	sand.u32 $0x380, s0;
	s2 =	sand.u32 $0xF800, s26;
	[sflag:s19] =	ssyncset.done $0x0  }
0x94: {  	s0 =	sor.u32 s0, s2;
	[sflag:s19] =	ssyncadd.s32 $0xFFFFC000  }
0x95: {  	v0 =	vld [tilespmem:s0+$0x0];
	_ =	sdelay $0x1  }
0x96: {  	s26 =	simm.s32 $0x0  }
0x97: {  	s2 =	sand.u32 $0x3800, s26;
	s28 =	sand.u32 $0x380, s26  }
0x98: {  	s28 =	sor.u32 s28, s2  }
0x99: {  	[tilespmem:s28+$0x8800] =	vst v0  }
0x9a: {  	v0 =	vld [tilespmem:s0+$0x10];
	_ =	sdelay $0x4  }
0x9b: {  	[tilespmem:s28+$0x8810] =	vst v0  }
0x9c: {  	v0 =	vld [tilespmem:s0+$0x20];
	_ =	sdelay $0x4  }
0x9d: {  	[tilespmem:s28+$0x8820] =	vst v0  }
0x9e: {  	v0 =	vld [tilespmem:s0+$0x30];
	_ =	sdelay $0x4  }
0x9f: {  	[tilespmem:s28+$0x8830] =	vst v0  }
0xa0: {  	v0 =	vld [tilespmem:s0+$0x40];
	_ =	sdelay $0x4  }
0xa1: {  	[tilespmem:s28+$0x8840] =	vst v0  }
0xa2: {  	v0 =	vld [tilespmem:s0+$0x50];
	_ =	sdelay $0x4  }
0xa3: {  	[tilespmem:s28+$0x8850] =	vst v0  }
0xa4: {  	v0 =	vld [tilespmem:s0+$0x60];
	_ =	sdelay $0x4  }
0xa5: {  	[tilespmem:s28+$0x8860] =	vst v0  }
0xa6: {  	v0 =	vld [tilespmem:s0+$0x70];
	_ =	sdelay $0x4  }
0xa7: {  	[tilespmem:s28+$0x8870] =	vst v0  }
0xa8: {  	v0 =	vld [tilespmem:s0+$0x400];
	_ =	sdelay $0x4  }
0xa9: {  	[tilespmem:s28+$0x8C00] =	vst v0  }
0xaa: {  	v0 =	vld [tilespmem:s0+$0x410];
	_ =	sdelay $0x4  }
0xab: {  	[tilespmem:s28+$0x8C10] =	vst v0  }
0xac: {  	v0 =	vld [tilespmem:s0+$0x420];
	_ =	sdelay $0x4  }
0xad: {  	[tilespmem:s28+$0x8C20] =	vst v0  }
0xae: {  	v0 =	vld [tilespmem:s0+$0x430];
	_ =	sdelay $0x4  }
0xaf: {  	[tilespmem:s28+$0x8C30] =	vst v0  }
0xb0: {  	v0 =	vld [tilespmem:s0+$0x440];
	_ =	sdelay $0x4  }
0xb1: {  	[tilespmem:s28+$0x8C40] =	vst v0  }
0xb2: {  	v0 =	vld [tilespmem:s0+$0x450];
	_ =	sdelay $0x4  }
0xb3: {  	[tilespmem:s28+$0x8C50] =	vst v0  }
0xb4: {  	v0 =	vld [tilespmem:s0+$0x460];
	_ =	sdelay $0x4  }
0xb5: {  	s30 =	sadd.s32 $0x1, s17;
	[tilespmem:s28+$0x8C60] =	vst v0  }
0xb6: {  	s31 =	simm.s32 $0x200;
	p1 =	sgt.s32 s30, $0x0;
	s29 =	simm.s32 $0x100;
	v0 =	vld [tilespmem:s0+$0x470]  }
.LBB2_4:
0xb7: {  	s0 =	smov.u32 s30  }
0xb8: {  	p0 =	sne.s32 s31, $0x3F00;
	s0 =	simm.s32 @!p1 $0x0  }
0xb9: {  	s0 =	smin.u32 s0, $0x80  }
0xba: {  	s2 =	sshll.u32 s0, $0x8;
	s0 =	sshll.u32 s0, $0x7  }
0xbb: {  	s2 =	sand.u32 $0xF800, s2;
	s0 =	sand.u32 $0x380, s0  }
0xbc: {  	s0 =	sor.u32 s0, s2;
	[tilespmem:s28+$0x8C70] =	vst v0  }
0xbd: {  	v0 =	vld [tilespmem:s0+$0x0];
	_ =	sdelay $0x1  }
0xbe: {  	s26 =	sadd.s32 $0x80, s26  }
0xbf: {  	s2 =	sand.u32 $0x3800, s29;
	s28 =	sand.u32 $0x380, s26;
	s29 =	smov.u32 s31  }
0xc0: {  	s28 =	sor.u32 s28, s2  }
0xc1: {  	[tilespmem:s28+$0x8800] =	vst v0  }
0xc2: {  	v0 =	vld [tilespmem:s0+$0x10];
	_ =	sdelay $0x4  }
0xc3: {  	[tilespmem:s28+$0x8810] =	vst v0  }
0xc4: {  	v0 =	vld [tilespmem:s0+$0x20];
	_ =	sdelay $0x4  }
0xc5: {  	[tilespmem:s28+$0x8820] =	vst v0  }
0xc6: {  	v0 =	vld [tilespmem:s0+$0x30];
	_ =	sdelay $0x4  }
0xc7: {  	[tilespmem:s28+$0x8830] =	vst v0  }
0xc8: {  	v0 =	vld [tilespmem:s0+$0x40];
	_ =	sdelay $0x4  }
0xc9: {  	[tilespmem:s28+$0x8840] =	vst v0  }
0xca: {  	v0 =	vld [tilespmem:s0+$0x50];
	_ =	sdelay $0x4  }
0xcb: {  	[tilespmem:s28+$0x8850] =	vst v0  }
0xcc: {  	v0 =	vld [tilespmem:s0+$0x60];
	_ =	sdelay $0x4  }
0xcd: {  	[tilespmem:s28+$0x8860] =	vst v0  }
0xce: {  	v0 =	vld [tilespmem:s0+$0x70];
	_ =	sdelay $0x4  }
0xcf: {  	[tilespmem:s28+$0x8870] =	vst v0  }
0xd0: {  	v0 =	vld [tilespmem:s0+$0x400];
	_ =	sdelay $0x4  }
0xd1: {  	[tilespmem:s28+$0x8C00] =	vst v0  }
0xd2: {  	v0 =	vld [tilespmem:s0+$0x410];
	_ =	sdelay $0x4  }
0xd3: {  	[tilespmem:s28+$0x8C10] =	vst v0  }
0xd4: {  	v0 =	vld [tilespmem:s0+$0x420];
	_ =	sdelay $0x4  }
0xd5: {  	[tilespmem:s28+$0x8C20] =	vst v0  }
0xd6: {  	v0 =	vld [tilespmem:s0+$0x430];
	_ =	sdelay $0x4  }
0xd7: {  	[tilespmem:s28+$0x8C30] =	vst v0  }
0xd8: {  	v0 =	vld [tilespmem:s0+$0x440];
	_ =	sdelay $0x4  }
0xd9: {  	[tilespmem:s28+$0x8C40] =	vst v0  }
0xda: {  	v0 =	vld [tilespmem:s0+$0x450];
	_ =	sdelay $0x4  }
0xdb: {  	[tilespmem:s28+$0x8C50] =	vst v0  }
0xdc: {  	v0 =	vld [tilespmem:s0+$0x460];
	_ =	sdelay $0x1  }
.Ltmp1:
0xdd: {  	(pc) =	sbr.rel @p0 .LBB2_4-.Ltmp1, $3  }
0xde: {  	_ =	sdelay $0x1  }
0xdf: {  	s30 =	sadd.s32 $0x1, s30;
	[tilespmem:s28+$0x8C60] =	vst v0  }
0xe0: {  	p1 =	sgt.s32 s30, $0x0;
	s31 =	sadd.s32 $0x100, s31;
	v0 =	vld [tilespmem:s0+$0x470]  }
0xe1: {  	s30 =	simm.s32 @!p1 $0x0  }
0xe2: {  	s0 =	smin.u32 s30, $0x80  }
0xe3: {  	s2 =	sshll.u32 s0, $0x8;
	s0 =	sshll.u32 s0, $0x7  }
0xe4: {  	s2 =	sand.u32 $0xF800, s2;
	s0 =	sand.u32 $0x380, s0  }
0xe5: {  	s0 =	sor.u32 s0, s2;
	[tilespmem:s28+$0x8C70] =	vst v0  }
0xe6: {  	v0 =	vld [tilespmem:s0+$0x0];
	_ =	sdelay $0x1  }
0xe7: {  	s2 =	sadd.s32 $0x80, s26  }
0xe8: {  	s26 =	sand.u32 $0x3800, s29;
	s2 =	sand.u32 $0x380, s2  }
0xe9: {  	s2 =	sor.u32 s2, s26  }
0xea: {  	[tilespmem:s2+$0x8800] =	vst v0  }
0xeb: {  	v0 =	vld [tilespmem:s0+$0x10];
	_ =	sdelay $0x4  }
0xec: {  	[tilespmem:s2+$0x8810] =	vst v0  }
0xed: {  	v0 =	vld [tilespmem:s0+$0x20];
	_ =	sdelay $0x4  }
0xee: {  	[tilespmem:s2+$0x8820] =	vst v0  }
0xef: {  	v0 =	vld [tilespmem:s0+$0x30];
	_ =	sdelay $0x4  }
0xf0: {  	[tilespmem:s2+$0x8830] =	vst v0  }
0xf1: {  	v0 =	vld [tilespmem:s0+$0x40];
	_ =	sdelay $0x4  }
0xf2: {  	[tilespmem:s2+$0x8840] =	vst v0  }
0xf3: {  	v0 =	vld [tilespmem:s0+$0x50];
	_ =	sdelay $0x4  }
0xf4: {  	[tilespmem:s2+$0x8850] =	vst v0  }
0xf5: {  	v0 =	vld [tilespmem:s0+$0x60];
	_ =	sdelay $0x4  }
0xf6: {  	[tilespmem:s2+$0x8860] =	vst v0  }
0xf7: {  	v0 =	vld [tilespmem:s0+$0x70];
	_ =	sdelay $0x4  }
0xf8: {  	[tilespmem:s2+$0x8870] =	vst v0  }
0xf9: {  	v0 =	vld [tilespmem:s0+$0x400];
	_ =	sdelay $0x4  }
0xfa: {  	[tilespmem:s2+$0x8C00] =	vst v0  }
0xfb: {  	v0 =	vld [tilespmem:s0+$0x410];
	_ =	sdelay $0x4  }
0xfc: {  	[tilespmem:s2+$0x8C10] =	vst v0  }
0xfd: {  	v0 =	vld [tilespmem:s0+$0x420];
	_ =	sdelay $0x4  }
0xfe: {  	[tilespmem:s2+$0x8C20] =	vst v0  }
0xff: {  	v0 =	vld [tilespmem:s0+$0x430];
	_ =	sdelay $0x4  }
0x100: {  	[tilespmem:s2+$0x8C30] =	vst v0  }
0x101: {  	v0 =	vld [tilespmem:s0+$0x440];
	_ =	sdelay $0x4  }
0x102: {  	[tilespmem:s2+$0x8C40] =	vst v0  }
0x103: {  	v0 =	vld [tilespmem:s0+$0x450];
	_ =	sdelay $0x4  }
0x104: {  	[tilespmem:s2+$0x8C50] =	vst v0  }
0x105: {  	v0 =	vld [tilespmem:s0+$0x460];
	_ =	sdelay $0x4  }
0x106: {  	[tilespmem:s2+$0x8C60] =	vst v0  }
0x107: {  	v0 =	vld [tilespmem:s0+$0x470];
	_ =	sdelay $0x2  }
0x108: {  	p0 =	sgt.s32 s18, $0x0;
	s0 =	smov.u32 s18  }
0x109: {  	s0 =	simm.s32 @!p0 $0x0  }
0x10a: {  	s0 =	smin.u32 s0, $0x80;
	[tilespmem:s2+$0x8C70] =	vst v0  }
0x10b: {  	[spmem:s6] =	stream.linear.scatter [tilespmem:s20], [sflag:$0x2], $0x4000, $0x38;
	[tilespmem:$0x1C600] =	vst v63  }
0x10c: {  	s26 =	sshll.u32 s0, $0x8;
	s0 =	sshll.u32 s0, $0x7;
	_ =	swait.ge [sflag:s19], $0x4000  }
0x10d: {  	s0 =	sand.u32 $0x380, s0;
	s2 =	sand.u32 $0xF800, s26;
	[sflag:s19] =	ssyncset.done $0x0  }
0x10e: {  	s0 =	sor.u32 s0, s2;
	[sflag:s19] =	ssyncadd.s32 $0xFFFFC000  }
0x10f: {  	v0 =	vld [tilespmem:s0+$0x0];
	_ =	sdelay $0x1  }
0x110: {  	s26 =	simm.s32 $0x0  }
0x111: {  	s2 =	sand.u32 $0x3800, s26;
	s28 =	sand.u32 $0x380, s26  }
0x112: {  	s28 =	sor.u32 s28, s2  }
0x113: {  	[tilespmem:s28+$0x8800] =	vst v0  }
0x114: {  	v0 =	vld [tilespmem:s0+$0x10];
	_ =	sdelay $0x4  }
0x115: {  	[tilespmem:s28+$0x8810] =	vst v0  }
0x116: {  	v0 =	vld [tilespmem:s0+$0x20];
	_ =	sdelay $0x4  }
0x117: {  	[tilespmem:s28+$0x8820] =	vst v0  }
0x118: {  	v0 =	vld [tilespmem:s0+$0x30];
	_ =	sdelay $0x4  }
0x119: {  	[tilespmem:s28+$0x8830] =	vst v0  }
0x11a: {  	v0 =	vld [tilespmem:s0+$0x40];
	_ =	sdelay $0x4  }
0x11b: {  	[tilespmem:s28+$0x8840] =	vst v0  }
0x11c: {  	v0 =	vld [tilespmem:s0+$0x50];
	_ =	sdelay $0x4  }
0x11d: {  	[tilespmem:s28+$0x8850] =	vst v0  }
0x11e: {  	v0 =	vld [tilespmem:s0+$0x60];
	_ =	sdelay $0x4  }
0x11f: {  	[tilespmem:s28+$0x8860] =	vst v0  }
0x120: {  	v0 =	vld [tilespmem:s0+$0x70];
	_ =	sdelay $0x4  }
0x121: {  	[tilespmem:s28+$0x8870] =	vst v0  }
0x122: {  	v0 =	vld [tilespmem:s0+$0x400];
	_ =	sdelay $0x4  }
0x123: {  	[tilespmem:s28+$0x8C00] =	vst v0  }
0x124: {  	v0 =	vld [tilespmem:s0+$0x410];
	_ =	sdelay $0x4  }
0x125: {  	[tilespmem:s28+$0x8C10] =	vst v0  }
0x126: {  	v0 =	vld [tilespmem:s0+$0x420];
	_ =	sdelay $0x4  }
0x127: {  	[tilespmem:s28+$0x8C20] =	vst v0  }
0x128: {  	v0 =	vld [tilespmem:s0+$0x430];
	_ =	sdelay $0x4  }
0x129: {  	[tilespmem:s28+$0x8C30] =	vst v0  }
0x12a: {  	v0 =	vld [tilespmem:s0+$0x440];
	_ =	sdelay $0x4  }
0x12b: {  	[tilespmem:s28+$0x8C40] =	vst v0  }
0x12c: {  	v0 =	vld [tilespmem:s0+$0x450];
	_ =	sdelay $0x4  }
0x12d: {  	[tilespmem:s28+$0x8C50] =	vst v0  }
0x12e: {  	v0 =	vld [tilespmem:s0+$0x460];
	_ =	sdelay $0x4  }
0x12f: {  	s30 =	sadd.s32 $0x1, s18;
	[tilespmem:s28+$0x8C60] =	vst v0  }
0x130: {  	s31 =	simm.s32 $0x200;
	p1 =	sgt.s32 s30, $0x0;
	s29 =	simm.s32 $0x100;
	v0 =	vld [tilespmem:s0+$0x470]  }
.LBB2_6:
0x131: {  	s0 =	smov.u32 s30  }
0x132: {  	p0 =	sne.s32 s31, $0x3F00;
	s0 =	simm.s32 @!p1 $0x0  }
0x133: {  	s0 =	smin.u32 s0, $0x80  }
0x134: {  	s2 =	sshll.u32 s0, $0x8;
	s0 =	sshll.u32 s0, $0x7  }
0x135: {  	s2 =	sand.u32 $0xF800, s2;
	s0 =	sand.u32 $0x380, s0  }
0x136: {  	s0 =	sor.u32 s0, s2;
	[tilespmem:s28+$0x8C70] =	vst v0  }
0x137: {  	v0 =	vld [tilespmem:s0+$0x0];
	_ =	sdelay $0x1  }
0x138: {  	s26 =	sadd.s32 $0x80, s26  }
0x139: {  	s2 =	sand.u32 $0x3800, s29;
	s28 =	sand.u32 $0x380, s26;
	s29 =	smov.u32 s31  }
0x13a: {  	s28 =	sor.u32 s28, s2  }
0x13b: {  	[tilespmem:s28+$0x8800] =	vst v0  }
0x13c: {  	v0 =	vld [tilespmem:s0+$0x10];
	_ =	sdelay $0x4  }
0x13d: {  	[tilespmem:s28+$0x8810] =	vst v0  }
0x13e: {  	v0 =	vld [tilespmem:s0+$0x20];
	_ =	sdelay $0x4  }
0x13f: {  	[tilespmem:s28+$0x8820] =	vst v0  }
0x140: {  	v0 =	vld [tilespmem:s0+$0x30];
	_ =	sdelay $0x4  }
0x141: {  	[tilespmem:s28+$0x8830] =	vst v0  }
0x142: {  	v0 =	vld [tilespmem:s0+$0x40];
	_ =	sdelay $0x4  }
0x143: {  	[tilespmem:s28+$0x8840] =	vst v0  }
0x144: {  	v0 =	vld [tilespmem:s0+$0x50];
	_ =	sdelay $0x4  }
0x145: {  	[tilespmem:s28+$0x8850] =	vst v0  }
0x146: {  	v0 =	vld [tilespmem:s0+$0x60];
	_ =	sdelay $0x4  }
0x147: {  	[tilespmem:s28+$0x8860] =	vst v0  }
0x148: {  	v0 =	vld [tilespmem:s0+$0x70];
	_ =	sdelay $0x4  }
0x149: {  	[tilespmem:s28+$0x8870] =	vst v0  }
0x14a: {  	v0 =	vld [tilespmem:s0+$0x400];
	_ =	sdelay $0x4  }
0x14b: {  	[tilespmem:s28+$0x8C00] =	vst v0  }
0x14c: {  	v0 =	vld [tilespmem:s0+$0x410];
	_ =	sdelay $0x4  }
0x14d: {  	[tilespmem:s28+$0x8C10] =	vst v0  }
0x14e: {  	v0 =	vld [tilespmem:s0+$0x420];
	_ =	sdelay $0x4  }
0x14f: {  	[tilespmem:s28+$0x8C20] =	vst v0  }
0x150: {  	v0 =	vld [tilespmem:s0+$0x430];
	_ =	sdelay $0x4  }
0x151: {  	[tilespmem:s28+$0x8C30] =	vst v0  }
0x152: {  	v0 =	vld [tilespmem:s0+$0x440];
	_ =	sdelay $0x4  }
0x153: {  	[tilespmem:s28+$0x8C40] =	vst v0  }
0x154: {  	v0 =	vld [tilespmem:s0+$0x450];
	_ =	sdelay $0x4  }
0x155: {  	[tilespmem:s28+$0x8C50] =	vst v0  }
0x156: {  	v0 =	vld [tilespmem:s0+$0x460];
	_ =	sdelay $0x1  }
.Ltmp2:
0x157: {  	(pc) =	sbr.rel @p0 .LBB2_6-.Ltmp2, $3  }
0x158: {  	_ =	sdelay $0x1  }
0x159: {  	s30 =	sadd.s32 $0x1, s30;
	[tilespmem:s28+$0x8C60] =	vst v0  }
0x15a: {  	p1 =	sgt.s32 s30, $0x0;
	s31 =	sadd.s32 $0x100, s31;
	v0 =	vld [tilespmem:s0+$0x470]  }
0x15b: {  	s30 =	simm.s32 @!p1 $0x0  }
0x15c: {  	s0 =	smin.u32 s30, $0x80  }
0x15d: {  	s2 =	sshll.u32 s0, $0x8;
	s0 =	sshll.u32 s0, $0x7  }
0x15e: {  	s2 =	sand.u32 $0xF800, s2;
	s0 =	sand.u32 $0x380, s0  }
0x15f: {  	s0 =	sor.u32 s0, s2;
	[tilespmem:s28+$0x8C70] =	vst v0  }
0x160: {  	v0 =	vld [tilespmem:s0+$0x0];
	_ =	sdelay $0x1  }
0x161: {  	s2 =	sadd.s32 $0x80, s26  }
0x162: {  	s26 =	sand.u32 $0x3800, s29;
	s2 =	sand.u32 $0x380, s2  }
0x163: {  	s2 =	sor.u32 s2, s26  }
0x164: {  	[tilespmem:s2+$0x8800] =	vst v0  }
0x165: {  	v0 =	vld [tilespmem:s0+$0x10];
	_ =	sdelay $0x4  }
0x166: {  	[tilespmem:s2+$0x8810] =	vst v0  }
0x167: {  	v0 =	vld [tilespmem:s0+$0x20];
	_ =	sdelay $0x4  }
0x168: {  	[tilespmem:s2+$0x8820] =	vst v0  }
0x169: {  	v0 =	vld [tilespmem:s0+$0x30];
	_ =	sdelay $0x4  }
0x16a: {  	[tilespmem:s2+$0x8830] =	vst v0  }
0x16b: {  	v0 =	vld [tilespmem:s0+$0x40];
	_ =	sdelay $0x4  }
0x16c: {  	[tilespmem:s2+$0x8840] =	vst v0  }
0x16d: {  	v0 =	vld [tilespmem:s0+$0x50];
	_ =	sdelay $0x4  }
0x16e: {  	[tilespmem:s2+$0x8850] =	vst v0  }
0x16f: {  	v0 =	vld [tilespmem:s0+$0x60];
	_ =	sdelay $0x4  }
0x170: {  	[tilespmem:s2+$0x8860] =	vst v0  }
0x171: {  	v0 =	vld [tilespmem:s0+$0x70];
	_ =	sdelay $0x4  }
0x172: {  	[tilespmem:s2+$0x8870] =	vst v0  }
0x173: {  	v0 =	vld [tilespmem:s0+$0x400];
	_ =	sdelay $0x4  }
0x174: {  	[tilespmem:s2+$0x8C00] =	vst v0  }
0x175: {  	v0 =	vld [tilespmem:s0+$0x410];
	_ =	sdelay $0x4  }
0x176: {  	[tilespmem:s2+$0x8C10] =	vst v0  }
0x177: {  	v0 =	vld [tilespmem:s0+$0x420];
	_ =	sdelay $0x4  }
0x178: {  	[tilespmem:s2+$0x8C20] =	vst v0  }
0x179: {  	v0 =	vld [tilespmem:s0+$0x430];
	_ =	sdelay $0x4  }
0x17a: {  	[tilespmem:s2+$0x8C30] =	vst v0  }
0x17b: {  	v0 =	vld [tilespmem:s0+$0x440];
	_ =	sdelay $0x4  }
0x17c: {  	[tilespmem:s2+$0x8C40] =	vst v0  }
0x17d: {  	v0 =	vld [tilespmem:s0+$0x450];
	_ =	sdelay $0x4  }
0x17e: {  	[tilespmem:s2+$0x8C50] =	vst v0  }
0x17f: {  	v0 =	vld [tilespmem:s0+$0x460];
	_ =	sdelay $0x4  }
0x180: {  	[tilespmem:s2+$0x8C60] =	vst v0  }
0x181: {  	v0 =	vld [tilespmem:s0+$0x470];
	_ =	sdelay $0x2  }
0x182: {  	p0 =	sgt.s32 s8, $0x0;
	s0 =	smov.u32 s8  }
0x183: {  	s0 =	simm.s32 @!p0 $0x0  }
0x184: {  	s0 =	smin.u32 s0, $0x80;
	[tilespmem:s2+$0x8C70] =	vst v0  }
0x185: {  	[spmem:s7] =	stream.linear.scatter [tilespmem:s20], [sflag:$0x2], $0x4000, $0x38;
	[tilespmem:$0x1C600] =	vst v63  }
0x186: {  	s26 =	sshll.u32 s0, $0x8;
	s0 =	sshll.u32 s0, $0x7;
	_ =	swait.ge [sflag:s19], $0x4000  }
0x187: {  	s0 =	sand.u32 $0x380, s0;
	s2 =	sand.u32 $0xF800, s26;
	[sflag:s19] =	ssyncset.done $0x0  }
0x188: {  	s0 =	sor.u32 s0, s2;
	[sflag:s19] =	ssyncadd.s32 $0xFFFFC000  }
0x189: {  	v0 =	vld [tilespmem:s0+$0x0];
	_ =	sdelay $0x1  }
0x18a: {  	s26 =	simm.s32 $0x0  }
0x18b: {  	s2 =	sand.u32 $0x3800, s26;
	s28 =	sand.u32 $0x380, s26  }
0x18c: {  	s28 =	sor.u32 s28, s2  }
0x18d: {  	[tilespmem:s28+$0x8800] =	vst v0  }
0x18e: {  	v0 =	vld [tilespmem:s0+$0x10];
	_ =	sdelay $0x4  }
0x18f: {  	[tilespmem:s28+$0x8810] =	vst v0  }
0x190: {  	v0 =	vld [tilespmem:s0+$0x20];
	_ =	sdelay $0x4  }
0x191: {  	[tilespmem:s28+$0x8820] =	vst v0  }
0x192: {  	v0 =	vld [tilespmem:s0+$0x30];
	_ =	sdelay $0x4  }
0x193: {  	[tilespmem:s28+$0x8830] =	vst v0  }
0x194: {  	v0 =	vld [tilespmem:s0+$0x40];
	_ =	sdelay $0x4  }
0x195: {  	[tilespmem:s28+$0x8840] =	vst v0  }
0x196: {  	v0 =	vld [tilespmem:s0+$0x50];
	_ =	sdelay $0x4  }
0x197: {  	[tilespmem:s28+$0x8850] =	vst v0  }
0x198: {  	v0 =	vld [tilespmem:s0+$0x60];
	_ =	sdelay $0x4  }
0x199: {  	[tilespmem:s28+$0x8860] =	vst v0  }
0x19a: {  	v0 =	vld [tilespmem:s0+$0x70];
	_ =	sdelay $0x4  }
0x19b: {  	[tilespmem:s28+$0x8870] =	vst v0  }
0x19c: {  	v0 =	vld [tilespmem:s0+$0x400];
	_ =	sdelay $0x4  }
0x19d: {  	[tilespmem:s28+$0x8C00] =	vst v0  }
0x19e: {  	v0 =	vld [tilespmem:s0+$0x410];
	_ =	sdelay $0x4  }
0x19f: {  	[tilespmem:s28+$0x8C10] =	vst v0  }
0x1a0: {  	v0 =	vld [tilespmem:s0+$0x420];
	_ =	sdelay $0x4  }
0x1a1: {  	[tilespmem:s28+$0x8C20] =	vst v0  }
0x1a2: {  	v0 =	vld [tilespmem:s0+$0x430];
	_ =	sdelay $0x4  }
0x1a3: {  	[tilespmem:s28+$0x8C30] =	vst v0  }
0x1a4: {  	v0 =	vld [tilespmem:s0+$0x440];
	_ =	sdelay $0x4  }
0x1a5: {  	[tilespmem:s28+$0x8C40] =	vst v0  }
0x1a6: {  	v0 =	vld [tilespmem:s0+$0x450];
	_ =	sdelay $0x4  }
0x1a7: {  	[tilespmem:s28+$0x8C50] =	vst v0  }
0x1a8: {  	v0 =	vld [tilespmem:s0+$0x460];
	_ =	sdelay $0x4  }
0x1a9: {  	s30 =	sadd.s32 $0x1, s8;
	[tilespmem:s28+$0x8C60] =	vst v0  }
0x1aa: {  	s31 =	simm.s32 $0x200;
	p1 =	sgt.s32 s30, $0x0;
	s29 =	simm.s32 $0x100;
	v0 =	vld [tilespmem:s0+$0x470]  }
.LBB2_8:
0x1ab: {  	s0 =	smov.u32 s30  }
0x1ac: {  	p0 =	sne.s32 s31, $0x3F00;
	s0 =	simm.s32 @!p1 $0x0  }
0x1ad: {  	s0 =	smin.u32 s0, $0x80  }
0x1ae: {  	s2 =	sshll.u32 s0, $0x8;
	s0 =	sshll.u32 s0, $0x7  }
0x1af: {  	s2 =	sand.u32 $0xF800, s2;
	s0 =	sand.u32 $0x380, s0  }
0x1b0: {  	s0 =	sor.u32 s0, s2;
	[tilespmem:s28+$0x8C70] =	vst v0  }
0x1b1: {  	v0 =	vld [tilespmem:s0+$0x0];
	_ =	sdelay $0x1  }
0x1b2: {  	s26 =	sadd.s32 $0x80, s26  }
0x1b3: {  	s2 =	sand.u32 $0x3800, s29;
	s28 =	sand.u32 $0x380, s26;
	s29 =	smov.u32 s31  }
0x1b4: {  	s28 =	sor.u32 s28, s2  }
0x1b5: {  	[tilespmem:s28+$0x8800] =	vst v0  }
0x1b6: {  	v0 =	vld [tilespmem:s0+$0x10];
	_ =	sdelay $0x4  }
0x1b7: {  	[tilespmem:s28+$0x8810] =	vst v0  }
0x1b8: {  	v0 =	vld [tilespmem:s0+$0x20];
	_ =	sdelay $0x4  }
0x1b9: {  	[tilespmem:s28+$0x8820] =	vst v0  }
0x1ba: {  	v0 =	vld [tilespmem:s0+$0x30];
	_ =	sdelay $0x4  }
0x1bb: {  	[tilespmem:s28+$0x8830] =	vst v0  }
0x1bc: {  	v0 =	vld [tilespmem:s0+$0x40];
	_ =	sdelay $0x4  }
0x1bd: {  	[tilespmem:s28+$0x8840] =	vst v0  }
0x1be: {  	v0 =	vld [tilespmem:s0+$0x50];
	_ =	sdelay $0x4  }
0x1bf: {  	[tilespmem:s28+$0x8850] =	vst v0  }
0x1c0: {  	v0 =	vld [tilespmem:s0+$0x60];
	_ =	sdelay $0x4  }
0x1c1: {  	[tilespmem:s28+$0x8860] =	vst v0  }
0x1c2: {  	v0 =	vld [tilespmem:s0+$0x70];
	_ =	sdelay $0x4  }
0x1c3: {  	[tilespmem:s28+$0x8870] =	vst v0  }
0x1c4: {  	v0 =	vld [tilespmem:s0+$0x400];
	_ =	sdelay $0x4  }
0x1c5: {  	[tilespmem:s28+$0x8C00] =	vst v0  }
0x1c6: {  	v0 =	vld [tilespmem:s0+$0x410];
	_ =	sdelay $0x4  }
0x1c7: {  	[tilespmem:s28+$0x8C10] =	vst v0  }
0x1c8: {  	v0 =	vld [tilespmem:s0+$0x420];
	_ =	sdelay $0x4  }
0x1c9: {  	[tilespmem:s28+$0x8C20] =	vst v0  }
0x1ca: {  	v0 =	vld [tilespmem:s0+$0x430];
	_ =	sdelay $0x4  }
0x1cb: {  	[tilespmem:s28+$0x8C30] =	vst v0  }
0x1cc: {  	v0 =	vld [tilespmem:s0+$0x440];
	_ =	sdelay $0x4  }
0x1cd: {  	[tilespmem:s28+$0x8C40] =	vst v0  }
0x1ce: {  	v0 =	vld [tilespmem:s0+$0x450];
	_ =	sdelay $0x4  }
0x1cf: {  	[tilespmem:s28+$0x8C50] =	vst v0  }
0x1d0: {  	v0 =	vld [tilespmem:s0+$0x460];
	_ =	sdelay $0x1  }
.Ltmp3:
0x1d1: {  	(pc) =	sbr.rel @p0 .LBB2_8-.Ltmp3, $3  }
0x1d2: {  	_ =	sdelay $0x1  }
0x1d3: {  	s30 =	sadd.s32 $0x1, s30;
	[tilespmem:s28+$0x8C60] =	vst v0  }
0x1d4: {  	p1 =	sgt.s32 s30, $0x0;
	s31 =	sadd.s32 $0x100, s31;
	v0 =	vld [tilespmem:s0+$0x470]  }
0x1d5: {  	s30 =	simm.s32 @!p1 $0x0  }
0x1d6: {  	s0 =	smin.u32 s30, $0x80  }
0x1d7: {  	s2 =	sshll.u32 s0, $0x8;
	s0 =	sshll.u32 s0, $0x7  }
0x1d8: {  	s2 =	sand.u32 $0xF800, s2;
	s0 =	sand.u32 $0x380, s0  }
0x1d9: {  	s0 =	sor.u32 s0, s2;
	[tilespmem:s28+$0x8C70] =	vst v0  }
0x1da: {  	v0 =	vld [tilespmem:s0+$0x0];
	_ =	sdelay $0x1  }
0x1db: {  	s28 =	sadd.s32 $0x80, s26  }
0x1dc: {  	s29 =	sand.u32 $0x3800, s29;
	s2 =	sand.u32 $0x380, s28  }
0x1dd: {  	s2 =	sor.u32 s2, s29  }
0x1de: {  	[tilespmem:s2+$0x8800] =	vst v0  }
0x1df: {  	v0 =	vld [tilespmem:s0+$0x10];
	_ =	sdelay $0x4  }
0x1e0: {  	[tilespmem:s2+$0x8810] =	vst v0  }
0x1e1: {  	v0 =	vld [tilespmem:s0+$0x20];
	_ =	sdelay $0x4  }
0x1e2: {  	[tilespmem:s2+$0x8820] =	vst v0  }
0x1e3: {  	v0 =	vld [tilespmem:s0+$0x30];
	_ =	sdelay $0x4  }
0x1e4: {  	[tilespmem:s2+$0x8830] =	vst v0  }
0x1e5: {  	v0 =	vld [tilespmem:s0+$0x40];
	_ =	sdelay $0x4  }
0x1e6: {  	[tilespmem:s2+$0x8840] =	vst v0  }
0x1e7: {  	v0 =	vld [tilespmem:s0+$0x50];
	_ =	sdelay $0x4  }
0x1e8: {  	[tilespmem:s2+$0x8850] =	vst v0  }
0x1e9: {  	v0 =	vld [tilespmem:s0+$0x60];
	_ =	sdelay $0x4  }
0x1ea: {  	[tilespmem:s2+$0x8860] =	vst v0  }
0x1eb: {  	v0 =	vld [tilespmem:s0+$0x70];
	_ =	sdelay $0x4  }
0x1ec: {  	[tilespmem:s2+$0x8870] =	vst v0  }
0x1ed: {  	v0 =	vld [tilespmem:s0+$0x400];
	_ =	sdelay $0x4  }
0x1ee: {  	[tilespmem:s2+$0x8C00] =	vst v0  }
0x1ef: {  	v0 =	vld [tilespmem:s0+$0x410];
	_ =	sdelay $0x4  }
0x1f0: {  	[tilespmem:s2+$0x8C10] =	vst v0  }
0x1f1: {  	v0 =	vld [tilespmem:s0+$0x420];
	_ =	sdelay $0x4  }
0x1f2: {  	[tilespmem:s2+$0x8C20] =	vst v0  }
0x1f3: {  	v0 =	vld [tilespmem:s0+$0x430];
	_ =	sdelay $0x4  }
0x1f4: {  	[tilespmem:s2+$0x8C30] =	vst v0  }
0x1f5: {  	v0 =	vld [tilespmem:s0+$0x440];
	_ =	sdelay $0x4  }
0x1f6: {  	[tilespmem:s2+$0x8C40] =	vst v0  }
0x1f7: {  	v0 =	vld [tilespmem:s0+$0x450];
	_ =	sdelay $0x4  }
0x1f8: {  	[tilespmem:s2+$0x8C50] =	vst v0  }
0x1f9: {  	v0 =	vld [tilespmem:s0+$0x460];
	_ =	sdelay $0x4  }
0x1fa: {  	[tilespmem:s2+$0x8C60] =	vst v0  }
0x1fb: {  	v0 =	vld [tilespmem:s0+$0x470];
	_ =	sdelay $0x4  }
0x1fc: {  	[tilespmem:s2+$0x8C70] =	vst v0  }
0x1fd: {  	[spmem:s9] =	stream.linear.scatter [tilespmem:s20], [sflag:$0x2], $0x4000, $0x38;
	[tilespmem:$0x1C600] =	vst v63  }
0x1fe: {  	_ =	swait.ge [sflag:s19], $0x4000  }
0x1ff: {  	[sflag:s19] =	ssyncset.done $0x0  }
0x200: {  	[sflag:s19] =	ssyncadd.s32 $0xFFFFC000  }
0x201: {  	s31 =	sshrl.u32 s11, $0x3;
	s30 =	sor.u32 $0x1C01, s4;
	[bflag:$0x0] =	sbarrier.arrive $0xFFFF  }
0x202: {  	[hbm:s10], [sflag:s30] =	dma.local [spmem:s31], $0x4000  }
0x203: {  	[hbm:s12], [sflag:s30] =	dma.local [spmem:s21], $0x4000  }
0x204: {  	[hbm:s13], [sflag:s30] =	dma.local [spmem:s22], $0x4000  }
0x205: {  	[hbm:s14], [sflag:s30] =	dma.local [spmem:s23], $0x4000  }
0x206: {  	_ =	swait.ge [sflag:s24], $0x4000  }
0x207: {  	[sflag:s24] =	ssyncset.done $0x0  }
0x208: {  	[sflag:s24] =	ssyncadd.s32 $0xFFFFC000  }
0x209: {  	_ =	swait.ge [sflag:s24], $0x4000  }
0x20a: {  	[sflag:s24] =	ssyncset.done $0x0  }
0x20b: {  	s25 =	sadd.s32 $0x1, s25;
	[sflag:s24] =	ssyncadd.s32 $0xFFFFC000  }
0x20c: {  	p0 =	sne.s32 s25, s15;
	_ =	swait.ge [sflag:s24], $0x4000  }
.Ltmp4:
0x20d: {  	[sflag:s24] =	ssyncset.done $0x0;
	(pc) =	sbr.rel @p0 .LBB2_1-.Ltmp4, $4  }
0x20e: {  	[sflag:s24] =	ssyncadd.s32 $0xFFFFC000  }
0x20f: {  	_ =	swait.ge [sflag:s24], $0x4000  }
0x210: {  	[sflag:s24] =	ssyncset.done $0x0  }
0x211: {  	[sflag:s24] =	ssyncadd.s32 $0xFFFFC000  }
0x212: {  	_ =	sfence.sel $0x180000  }
0x213: {  	[bflag:$0x0] =	sbarrier.arrive $0xFFFF  }
0x214: {  	_ =	strace $0x90000047  }
0x215: {  	s0 =	stileid.u32;
	[bflag:$0x2] =	sbarrier.arrive $0xFFFF  }
0x216: {  	p0 =	sne.s32 s0, $0x0;
	s0 =	rddreg [dreg:$0x3]  }
0x217: {  	s0 =	sadd.s32 @!p0 $0x100000, s0  }
0x218: {  	[sflag:s0] =	ssyncadd.tile.s32 @!p0 $0x1;
	_ =	shalt  }
.Lfunc_end2:
_tile_overlayer_lowered:
.L_overlay_start_2:
0x219: {  	(tag) =	ssettag $0x2  }
0x21a: {  	s0 =	rddreg [dreg:$0x0];
	s2 =	stileid.u32  }
0x21b: {  	s1 =	rddreg [dreg:$0x1];
	p0 =	sne.s32 s2, $0x0  }
0x21c: {  	s3 =	rddreg [dreg:$0x2];
	[bflag:$0x3] =	sbarrier.arrive $0xFFFF;
	s2 =	simm.s32 @!p0 $0x1C02  }
0x21d: {  	[timem:s3], [sflag:s2] =	dma.local @!p0 [hbm:s0], s1  }
0x21e: {  	s0 =	simm.s32 @!p0 $0x2  }
0x21f: {  	_ =	swait.ge @!p0 [sflag:s0], s1  }
0x220: {  	s1 =	ssub.s32 @!p0 $0x0, s1;
	[sflag:s0] =	ssyncset.done @!p0 $0x0  }
0x221: {  	[sflag:s0] =	ssyncadd.s32 @!p0 s1  }
0x222: {  	[bflag:$0x3] =	sbarrier.arrive $0xFFFF  }
0x223: {  	_ =	shalt  }

</sc_bundles>
